<compile_context>
chip_gen: v7x
topology: tpu7x:2x2x1
jax: 0.10.2.dev20260603
libtpu: 0.0.44.dev20260713+nightly
codegen_flags: <defaults>
</compile_context>

<pallas_src>
import functools

import jax
import jax.numpy as jnp
from jax import lax
from jax.experimental import pallas as pl
from jax.experimental.pallas import tpu as pltpu
from jax.experimental.pallas import tpu_sc as plsc

N = 10000
NPAD = 10112
E = 320000
CH = 128
NWORK = 32
NITER = 80
EPAD = NWORK * NITER * CH
WEXT = 144
RZ = NPAD // 16
BLK = 1000


def _sc_segment_sum(xext, src, dst, zeros):
    mesh = plsc.VectorSubcoreMesh(core_axis_name="c", subcore_axis_name="s")

    @functools.partial(
        pl.kernel,
        mesh=mesh,
        compiler_params=pltpu.CompilerParams(use_tc_tiling_on_sc=False),
        out_type=jax.ShapeDtypeStruct((2 * N, WEXT), jnp.float32),
        scratch_types=[
            pltpu.VMEM((4, CH), jnp.int32),
            pltpu.VMEM((4, CH), jnp.int32),
            pltpu.VMEM((2, CH, WEXT), jnp.float32),
            pltpu.VMEM_SHARED((NPAD, WEXT), jnp.float32),
            pltpu.SemaphoreType.DMA((2,)),
            pltpu.SemaphoreType.DMA((2,)),
            pltpu.SemaphoreType.DMA((4,)),
            pltpu.SemaphoreType.DMA((4,)),
        ],
    )
    def body(xext_hbm, src_hbm, dst_hbm, zeros_hbm, out_hbm, sidx, didx, rows, acc,
             semg, semsc, semis, semid):
        cid = lax.axis_index("c")
        sid = lax.axis_index("s")
        wid = sid * 2 + cid
        base0 = wid * NITER * CH

        def idx_start(j, js):
            pltpu.async_copy(src_hbm.at[pl.ds(base0 + j * CH, CH)],
                             sidx.at[js], semis.at[js])
            pltpu.async_copy(dst_hbm.at[pl.ds(base0 + j * CH, CH)],
                             didx.at[js], semid.at[js])

        def idx_wait(js):
            pltpu.make_async_copy(src_hbm.at[pl.ds(0, CH)],
                                  sidx.at[js], semis.at[js]).wait()
            pltpu.make_async_copy(dst_hbm.at[pl.ds(0, CH)],
                                  didx.at[js], semid.at[js]).wait()

        def gather_start(js, s):
            pltpu.async_copy(xext_hbm.at[sidx.at[js]], rows.at[s], semg.at[s])

        def gather_wait(js, s):
            pltpu.make_async_copy(xext_hbm.at[sidx.at[js]], rows.at[s],
                                  semg.at[s]).wait()

        def scatter_start(js, s):
            pltpu.async_copy(rows.at[s], acc.at[didx.at[js]], semsc.at[s], add=True)

        def scatter_wait(js, s):
            pltpu.make_async_copy(rows.at[s], acc.at[didx.at[js]],
                                  semsc.at[s]).wait()

        for t in range(4):
            idx_start(t, t)
        idx_wait(0)
        gather_start(0, 0)
        pltpu.sync_copy(zeros_hbm, acc.at[pl.ds(sid * RZ, RZ)])
        plsc.subcore_barrier()

        def pipe(jj, carry):
            j0 = jj * 4
            for t in range(4):
                j = j0 + t
                s = t % 2
                gather_wait(t, s)
                scatter_start(t, s)

                if t == 0:
                    @pl.when(jj > 0)
                    def _():
                        scatter_wait(3, 1)
                else:
                    scatter_wait(t - 1, 1 - s)

                @pl.when((j > 0) & (j + 3 < NITER))
                def _():
                    idx_start(j + 3, (t + 3) % 4)

                @pl.when(j + 1 < NITER)
                def _():
                    idx_wait((t + 1) % 4)
                    gather_start((t + 1) % 4, 1 - s)
            return carry

        lax.fori_loop(0, NITER // 4, pipe, 0)
        scatter_wait(3, 1)
        plsc.subcore_barrier()

        @pl.when(sid < 10)
        def _():
            pltpu.sync_copy(acc.at[pl.ds(sid * 1000, 1000)],
                            out_hbm.at[pl.ds(cid * N + sid * 1000, 1000)])

    return body(xext, src, dst, zeros)


def _tc_combine(part, xext, wl, ws, wg, bl, bs, bg):
    nb = N // BLK

    def dot_t(a, w):
        return lax.dot_general(a, w, (((1,), (1,)), ((), ())),
                               preferred_element_type=jnp.float32)

    def body(p0, p1, xer, wlr, wsr, wgr, blr, bsr, bgr, outr):
        pa = p0[...] + p1[...]
        deg = pa[:, 131:132]
        xe = xer[...]
        xv = xe[:, :128]
        wlv = wlr[...]
        wgv = wgr[...]
        t1 = dot_t(pa[:, :131], wlv) + deg * blr[...]
        t3 = deg * dot_t(xe[:, 128:131], wlv[:, 128:131])
        t2 = dot_t(xe[:, :131], wsr[...]) + bsr[...]
        out1 = t1 - t3 + t2
        out2 = dot_t(out1, wgv[:, :128]) + dot_t(xv, wgv[:, 128:]) + bgr[...]
        outr[...] = xv + out2

    def full(shape):
        return pl.BlockSpec(shape, lambda i: (0, 0))

    return pl.pallas_call(
        body,
        grid=(nb,),
        in_specs=[
            pl.BlockSpec((BLK, WEXT), lambda i: (i, 0)),
            pl.BlockSpec((BLK, WEXT), lambda i: (i + nb, 0)),
            pl.BlockSpec((BLK, WEXT), lambda i: (i, 0)),
            full((128, 131)), full((128, 131)), full((128, 256)),
            full((1, 128)), full((1, 128)), full((1, 128)),
        ],
        out_specs=pl.BlockSpec((BLK, 128), lambda i: (i, 0)),
        out_shape=jax.ShapeDtypeStruct((N, 128), jnp.float32),
    )(part, part, xext, wl, ws, wg, bl, bs, bg)


def kernel(x, pos, edge_index, W_self, b_self, W_local, b_local, W_global, b_global):
    f32 = jnp.float32
    i32 = jnp.int32
    src = jnp.concatenate(
        [edge_index[0].astype(i32), jnp.arange(EPAD - E, dtype=i32) % N])
    dst = jnp.concatenate(
        [edge_index[1].astype(i32),
         N + jnp.arange(EPAD - E, dtype=i32) % (NPAD - N)])
    xext = jnp.concatenate(
        [x, pos, jnp.ones((N, 1), f32), jnp.zeros((N, WEXT - 132), f32)], axis=1)
    zeros = jnp.zeros((RZ, WEXT), f32)
    part = _sc_segment_sum(xext, src, dst, zeros)
    return _tc_combine(part, xext, W_local, W_self, W_global,
                       b_local[None, :], b_self[None, :], b_global[None, :])

# --- scband reference (transcript-rebuilt; emitter-appended) ---
"""Pipeline reference for scband-gpose-layer-51823075393747 (READ-ONLY COPY).

The authoritative reference and input builder live on the scoring server;
editing this copy changes nothing except your own understanding.
"""

import jax, jax.numpy as jnp
import numpy as np

N = 10000
E = 320000
IN_CH = 128
HID_CH = 128
OUT_CH = 128
NDIM = 3


def setup_inputs(seed: int = 0) -> dict:
    key = jax.random.key(seed)
    ks = jax.random.split(key, 10)
    x = jax.random.normal(ks[0], (N, IN_CH), dtype=jnp.float32)
    pos = jax.random.normal(ks[1], (N, NDIM), dtype=jnp.float32)
    edge_index = jax.random.randint(ks[2], (2, E), 0, N, dtype=jnp.int64)
    # Linear params (PyTorch Linear convention: y = x @ W.T + b)
    def lin(k, fan_in, fan_out):
        bound = 1.0 / np.sqrt(fan_in)
        k1, k2 = jax.random.split(k)
        W = jax.random.uniform(k1, (fan_out, fan_in), minval=-bound, maxval=bound, dtype=jnp.float32)
        b = jax.random.uniform(k2, (fan_out,), minval=-bound, maxval=bound, dtype=jnp.float32)
        return W, b
    W_self, b_self = lin(ks[3], IN_CH + NDIM, HID_CH)
    W_local, b_local = lin(ks[4], IN_CH + NDIM, HID_CH)
    W_global, b_global = lin(ks[5], HID_CH + IN_CH, OUT_CH)
    return {"x": x, "pos": pos, "edge_index": edge_index,
            "W_self": W_self, "b_self": b_self,
            "W_local": W_local, "b_local": b_local,
            "W_global": W_global, "b_global": b_global}


def reference(x, pos, edge_index, W_self, b_self, W_local, b_local, W_global, b_global):
    src = edge_index[0]
    dst = edge_index[1]
    # message: local_nn(cat([x_j, pos_j - pos_i]))
    x_j = jnp.take(x, src, axis=0)
    rel_pos = jnp.take(pos, src, axis=0) - jnp.take(pos, dst, axis=0)
    msg = jnp.concatenate([x_j, rel_pos], axis=1)
    msg = msg @ W_local.T + b_local
    # aggregate: sum over incoming edges at dst
    out = jax.ops.segment_sum(msg, dst, num_segments=x.shape[0])
    # self_nn(cat([x_r, pos_r]))
    out = out + (jnp.concatenate([x, pos], axis=1) @ W_self.T + b_self)
    # global_nn(cat([out, x_r]))
    out = jnp.concatenate([out, x], axis=1) @ W_global.T + b_global
    # skip connection (in_channels == out_channels -> identity skip)
    return x + out

if __name__ == "__main__":
    import jax
    _d = setup_inputs()
    print(jax.jit(kernel)(*tuple(_d.values())))

</pallas_src>

<mosaic_0001>
#map = affine_map<(d0, d1) -> (0, 0)>
#map1 = affine_map<(d0, d1) -> (0)>
module attributes {stable_mosaic.version = 14 : i64} {
  func.func @body(%arg0: i32, %arg1: i32, %arg2: memref<10000x144xf32, #tpu.memory_space<hbm>>, %arg3: memref<327680xi32, #tpu.memory_space<hbm>>, %arg4: memref<327680xi32, #tpu.memory_space<hbm>>, %arg5: memref<632x144xf32, #tpu.memory_space<hbm>>, %arg6: memref<20000x144xf32, #tpu.memory_space<hbm>>, %arg7: memref<4x128xi32, #tpu.memory_space<vmem>>, %arg8: memref<4x128xi32, #tpu.memory_space<vmem>>, %arg9: memref<2x128x144xf32, #tpu.memory_space<vmem>>, %arg10: memref<10112x144xf32, #tpu.memory_space<vmem_shared>>, %arg11: memref<2x!tpu.dma_semaphore, #tpu.memory_space<semaphore_mem>>, %arg12: memref<2x!tpu.dma_semaphore, #tpu.memory_space<semaphore_mem>>, %arg13: memref<4x!tpu.dma_semaphore, #tpu.memory_space<semaphore_mem>>, %arg14: memref<4x!tpu.dma_semaphore, #tpu.memory_space<semaphore_mem>>) attributes {dimension_semantics = [#tpu.dimension_semantics<core_parallel>, #tpu.dimension_semantics<subcore_parallel>], iteration_bounds = array<i64: 2, 16>, scalar_prefetch = 0 : i64, scratch_operands = 8 : i64, tpu.core_type = #tpu.core_type<sc_vector_subcore>, window_params = [{transform_indices = #map}, {transform_indices = #map1}, {transform_indices = #map1}, {transform_indices = #map}, {transform_indices = #map}]} {
    %mul3A = arith.constant 2 : i32
    %mul3A_0 = arith.muli %arg1, %mul3A : i32
    %add3A = arith.addi %mul3A_0, %arg0 : i32
    %mul3A_1 = arith.constant 80 : i32
    %mul3A_2 = arith.muli %add3A, %mul3A_1 : i32
    %mul3A_3 = arith.constant 128 : i32
    %mul3A_4 = arith.muli %mul3A_2, %mul3A_3 : i32
    %add3A_5 = arith.constant 0 : i32
    %add3A_6 = arith.addi %mul3A_4, %add3A_5 : i32
    %dma_start3A = arith.constant 0 : i32
    %dma_start3A_7 = arith.constant 0 : i32
    %dma_start3A_8 = arith.constant 0 : i32
    %dma_start3A_9 = tpu.memref_slice %arg7[%dma_start3A, %dma_start3A_8] : memref<4x128xi32, #tpu.memory_space<vmem>> -> memref<1x128xi32, #tpu.memory_space<vmem>>
    %dma_start3A_10 = tpu.memref_squeeze %dma_start3A_9 : memref<1x128xi32, #tpu.memory_space<vmem>> -> memref<128xi32, #tpu.memory_space<vmem>>
    %dma_start3A_11 = tpu.memref_slice %arg3[%add3A_6] : memref<327680xi32, #tpu.memory_space<hbm>> -> memref<128xi32, #tpu.memory_space<hbm>>
    %dma_start3A_12 = tpu.memref_slice %arg13[%dma_start3A_7] : memref<4x!tpu.dma_semaphore, #tpu.memory_space<semaphore_mem>> -> memref<1x!tpu.dma_semaphore, #tpu.memory_space<semaphore_mem>>
    %dma_start3A_13 = tpu.memref_squeeze %dma_start3A_12 : memref<1x!tpu.dma_semaphore, #tpu.memory_space<semaphore_mem>> -> memref<!tpu.dma_semaphore, #tpu.memory_space<semaphore_mem>>
    %dma_start3A_14 = arith.constant 0 : i32
    %dma_start3A_15 = tpu.memref_slice %arg7[%dma_start3A, %dma_start3A_14] : memref<4x128xi32, #tpu.memory_space<vmem>> -> memref<1x128xi32, #tpu.memory_space<vmem>>
    %dma_start3A_16 = tpu.memref_squeeze %dma_start3A_15 : memref<1x128xi32, #tpu.memory_space<vmem>> -> memref<128xi32, #tpu.memory_space<vmem>>
    %dma_start3A_17 = tpu.memref_slice %arg3[%add3A_6] : memref<327680xi32, #tpu.memory_space<hbm>> -> memref<128xi32, #tpu.memory_space<hbm>>
    tpu.enqueue_dma source(%dma_start3A_17 : memref<128xi32, #tpu.memory_space<hbm>>) target(%dma_start3A_16 : memref<128xi32, #tpu.memory_space<vmem>>) target_semaphore(%dma_start3A_13 : memref<!tpu.dma_semaphore, #tpu.memory_space<semaphore_mem>>)
    %add3A_18 = arith.constant 0 : i32
    %add3A_19 = arith.addi %mul3A_4, %add3A_18 : i32
    %dma_start3A_20 = arith.constant 0 : i32
    %dma_start3A_21 = arith.constant 0 : i32
    %dma_start3A_22 = arith.constant 0 : i32
    %dma_start3A_23 = tpu.memref_slice %arg8[%dma_start3A_20, %dma_start3A_22] : memref<4x128xi32, #tpu.memory_space<vmem>> -> memref<1x128xi32, #tpu.memory_space<vmem>>
    %dma_start3A_24 = tpu.memref_squeeze %dma_start3A_23 : memref<1x128xi32, #tpu.memory_space<vmem>> -> memref<128xi32, #tpu.memory_space<vmem>>
    %dma_start3A_25 = tpu.memref_slice %arg4[%add3A_19] : memref<327680xi32, #tpu.memory_space<hbm>> -> memref<128xi32, #tpu.memory_space<hbm>>
    %dma_start3A_26 = tpu.memref_slice %arg14[%dma_start3A_21] : memref<4x!tpu.dma_semaphore, #tpu.memory_space<semaphore_mem>> -> memref<1x!tpu.dma_semaphore, #tpu.memory_space<semaphore_mem>>
    %dma_start3A_27 = tpu.memref_squeeze %dma_start3A_26 : memref<1x!tpu.dma_semaphore, #tpu.memory_space<semaphore_mem>> -> memref<!tpu.dma_semaphore, #tpu.memory_space<semaphore_mem>>
    %dma_start3A_28 = arith.constant 0 : i32
    %dma_start3A_29 = tpu.memref_slice %arg8[%dma_start3A_20, %dma_start3A_28] : memref<4x128xi32, #tpu.memory_space<vmem>> -> memref<1x128xi32, #tpu.memory_space<vmem>>
    %dma_start3A_30 = tpu.memref_squeeze %dma_start3A_29 : memref<1x128xi32, #tpu.memory_space<vmem>> -> memref<128xi32, #tpu.memory_space<vmem>>
    %dma_start3A_31 = tpu.memref_slice %arg4[%add3A_19] : memref<327680xi32, #tpu.memory_space<hbm>> -> memref<128xi32, #tpu.memory_space<hbm>>
    tpu.enqueue_dma source(%dma_start3A_31 : memref<128xi32, #tpu.memory_space<hbm>>) target(%dma_start3A_30 : memref<128xi32, #tpu.memory_space<vmem>>) target_semaphore(%dma_start3A_27 : memref<!tpu.dma_semaphore, #tpu.memory_space<semaphore_mem>>)
    %add3A_32 = arith.constant 128 : i32
    %add3A_33 = arith.addi %mul3A_4, %add3A_32 : i32
    %dma_start3A_34 = arith.constant 1 : i32
    %dma_start3A_35 = arith.constant 1 : i32
    %dma_start3A_36 = arith.constant 0 : i32
    %dma_start3A_37 = tpu.memref_slice %arg7[%dma_start3A_34, %dma_start3A_36] : memref<4x128xi32, #tpu.memory_space<vmem>> -> memref<1x128xi32, #tpu.memory_space<vmem>>
    %dma_start3A_38 = tpu.memref_squeeze %dma_start3A_37 : memref<1x128xi32, #tpu.memory_space<vmem>> -> memref<128xi32, #tpu.memory_space<vmem>>
    %dma_start3A_39 = tpu.memref_slice %arg3[%add3A_33] : memref<327680xi32, #tpu.memory_space<hbm>> -> memref<128xi32, #tpu.memory_space<hbm>>
    %dma_start3A_40 = tpu.memref_slice %arg13[%dma_start3A_35] : memref<4x!tpu.dma_semaphore, #tpu.memory_space<semaphore_mem>> -> memref<1x!tpu.dma_semaphore, #tpu.memory_space<semaphore_mem>>
    %dma_start3A_41 = tpu.memref_squeeze %dma_start3A_40 : memref<1x!tpu.dma_semaphore, #tpu.memory_space<semaphore_mem>> -> memref<!tpu.dma_semaphore, #tpu.memory_space<semaphore_mem>>
    %dma_start3A_42 = arith.constant 0 : i32
    %dma_start3A_43 = tpu.memref_slice %arg7[%dma_start3A_34, %dma_start3A_42] : memref<4x128xi32, #tpu.memory_space<vmem>> -> memref<1x128xi32, #tpu.memory_space<vmem>>
    %dma_start3A_44 = tpu.memref_squeeze %dma_start3A_43 : memref<1x128xi32, #tpu.memory_space<vmem>> -> memref<128xi32, #tpu.memory_space<vmem>>
    %dma_start3A_45 = tpu.memref_slice %arg3[%add3A_33] : memref<327680xi32, #tpu.memory_space<hbm>> -> memref<128xi32, #tpu.memory_space<hbm>>
    tpu.enqueue_dma source(%dma_start3A_45 : memref<128xi32, #tpu.memory_space<hbm>>) target(%dma_start3A_44 : memref<128xi32, #tpu.memory_space<vmem>>) target_semaphore(%dma_start3A_41 : memref<!tpu.dma_semaphore, #tpu.memory_space<semaphore_mem>>)
    %add3A_46 = arith.constant 128 : i32
    %add3A_47 = arith.addi %mul3A_4, %add3A_46 : i32
    %dma_start3A_48 = arith.constant 1 : i32
    %dma_start3A_49 = arith.constant 1 : i32
    %dma_start3A_50 = arith.constant 0 : i32
    %dma_start3A_51 = tpu.memref_slice %arg8[%dma_start3A_48, %dma_start3A_50] : memref<4x128xi32, #tpu.memory_space<vmem>> -> memref<1x128xi32, #tpu.memory_space<vmem>>
    %dma_start3A_52 = tpu.memref_squeeze %dma_start3A_51 : memref<1x128xi32, #tpu.memory_space<vmem>> -> memref<128xi32, #tpu.memory_space<vmem>>
    %dma_start3A_53 = tpu.memref_slice %arg4[%add3A_47] : memref<327680xi32, #tpu.memory_space<hbm>> -> memref<128xi32, #tpu.memory_space<hbm>>
    %dma_start3A_54 = tpu.memref_slice %arg14[%dma_start3A_49] : memref<4x!tpu.dma_semaphore, #tpu.memory_space<semaphore_mem>> -> memref<1x!tpu.dma_semaphore, #tpu.memory_space<semaphore_mem>>
    %dma_start3A_55 = tpu.memref_squeeze %dma_start3A_54 : memref<1x!tpu.dma_semaphore, #tpu.memory_space<semaphore_mem>> -> memref<!tpu.dma_semaphore, #tpu.memory_space<semaphore_mem>>
    %dma_start3A_56 = arith.constant 0 : i32
    %dma_start3A_57 = tpu.memref_slice %arg8[%dma_start3A_48, %dma_start3A_56] : memref<4x128xi32, #tpu.memory_space<vmem>> -> memref<1x128xi32, #tpu.memory_space<vmem>>
    %dma_start3A_58 = tpu.memref_squeeze %dma_start3A_57 : memref<1x128xi32, #tpu.memory_space<vmem>> -> memref<128xi32, #tpu.memory_space<vmem>>
    %dma_start3A_59 = tpu.memref_slice %arg4[%add3A_47] : memref<327680xi32, #tpu.memory_space<hbm>> -> memref<128xi32, #tpu.memory_space<hbm>>
    tpu.enqueue_dma source(%dma_start3A_59 : memref<128xi32, #tpu.memory_space<hbm>>) target(%dma_start3A_58 : memref<128xi32, #tpu.memory_space<vmem>>) target_semaphore(%dma_start3A_55 : memref<!tpu.dma_semaphore, #tpu.memory_space<semaphore_mem>>)
    %add3A_60 = arith.constant 256 : i32
    %add3A_61 = arith.addi %mul3A_4, %add3A_60 : i32
    %dma_start3A_62 = arith.constant 2 : i32
    %dma_start3A_63 = arith.constant 2 : i32
    %dma_start3A_64 = arith.constant 0 : i32
    %dma_start3A_65 = tpu.memref_slice %arg7[%dma_start3A_62, %dma_start3A_64] : memref<4x128xi32, #tpu.memory_space<vmem>> -> memref<1x128xi32, #tpu.memory_space<vmem>>
    %dma_start3A_66 = tpu.memref_squeeze %dma_start3A_65 : memref<1x128xi32, #tpu.memory_space<vmem>> -> memref<128xi32, #tpu.memory_space<vmem>>
    %dma_start3A_67 = tpu.memref_slice %arg3[%add3A_61] : memref<327680xi32, #tpu.memory_space<hbm>> -> memref<128xi32, #tpu.memory_space<hbm>>
    %dma_start3A_68 = tpu.memref_slice %arg13[%dma_start3A_63] : memref<4x!tpu.dma_semaphore, #tpu.memory_space<semaphore_mem>> -> memref<1x!tpu.dma_semaphore, #tpu.memory_space<semaphore_mem>>
    %dma_start3A_69 = tpu.memref_squeeze %dma_start3A_68 : memref<1x!tpu.dma_semaphore, #tpu.memory_space<semaphore_mem>> -> memref<!tpu.dma_semaphore, #tpu.memory_space<semaphore_mem>>
    %dma_start3A_70 = arith.constant 0 : i32
    %dma_start3A_71 = tpu.memref_slice %arg7[%dma_start3A_62, %dma_start3A_70] : memref<4x128xi32, #tpu.memory_space<vmem>> -> memref<1x128xi32, #tpu.memory_space<vmem>>
    %dma_start3A_72 = tpu.memref_squeeze %dma_start3A_71 : memref<1x128xi32, #tpu.memory_space<vmem>> -> memref<128xi32, #tpu.memory_space<vmem>>
    %dma_start3A_73 = tpu.memref_slice %arg3[%add3A_61] : memref<327680xi32, #tpu.memory_space<hbm>> -> memref<128xi32, #tpu.memory_space<hbm>>
    tpu.enqueue_dma source(%dma_start3A_73 : memref<128xi32, #tpu.memory_space<hbm>>) target(%dma_start3A_72 : memref<128xi32, #tpu.memory_space<vmem>>) target_semaphore(%dma_start3A_69 : memref<!tpu.dma_semaphore, #tpu.memory_space<semaphore_mem>>)
    %add3A_74 = arith.constant 256 : i32
    %add3A_75 = arith.addi %mul3A_4, %add3A_74 : i32
    %dma_start3A_76 = arith.constant 2 : i32
    %dma_start3A_77 = arith.constant 2 : i32
    %dma_start3A_78 = arith.constant 0 : i32
    %dma_start3A_79 = tpu.memref_slice %arg8[%dma_start3A_76, %dma_start3A_78] : memref<4x128xi32, #tpu.memory_space<vmem>> -> memref<1x128xi32, #tpu.memory_space<vmem>>
    %dma_start3A_80 = tpu.memref_squeeze %dma_start3A_79 : memref<1x128xi32, #tpu.memory_space<vmem>> -> memref<128xi32, #tpu.memory_space<vmem>>
    %dma_start3A_81 = tpu.memref_slice %arg4[%add3A_75] : memref<327680xi32, #tpu.memory_space<hbm>> -> memref<128xi32, #tpu.memory_space<hbm>>
    %dma_start3A_82 = tpu.memref_slice %arg14[%dma_start3A_77] : memref<4x!tpu.dma_semaphore, #tpu.memory_space<semaphore_mem>> -> memref<1x!tpu.dma_semaphore, #tpu.memory_space<semaphore_mem>>
    %dma_start3A_83 = tpu.memref_squeeze %dma_start3A_82 : memref<1x!tpu.dma_semaphore, #tpu.memory_space<semaphore_mem>> -> memref<!tpu.dma_semaphore, #tpu.memory_space<semaphore_mem>>
    %dma_start3A_84 = arith.constant 0 : i32
    %dma_start3A_85 = tpu.memref_slice %arg8[%dma_start3A_76, %dma_start3A_84] : memref<4x128xi32, #tpu.memory_space<vmem>> -> memref<1x128xi32, #tpu.memory_space<vmem>>
    %dma_start3A_86 = tpu.memref_squeeze %dma_start3A_85 : memref<1x128xi32, #tpu.memory_space<vmem>> -> memref<128xi32, #tpu.memory_space<vmem>>
    %dma_start3A_87 = tpu.memref_slice %arg4[%add3A_75] : memref<327680xi32, #tpu.memory_space<hbm>> -> memref<128xi32, #tpu.memory_space<hbm>>
    tpu.enqueue_dma source(%dma_start3A_87 : memref<128xi32, #tpu.memory_space<hbm>>) target(%dma_start3A_86 : memref<128xi32, #tpu.memory_space<vmem>>) target_semaphore(%dma_start3A_83 : memref<!tpu.dma_semaphore, #tpu.memory_space<semaphore_mem>>)
    %add3A_88 = arith.constant 384 : i32
    %add3A_89 = arith.addi %mul3A_4, %add3A_88 : i32
    %dma_start3A_90 = arith.constant 3 : i32
    %dma_start3A_91 = arith.constant 3 : i32
    %dma_start3A_92 = arith.constant 0 : i32
    %dma_start3A_93 = tpu.memref_slice %arg7[%dma_start3A_90, %dma_start3A_92] : memref<4x128xi32, #tpu.memory_space<vmem>> -> memref<1x128xi32, #tpu.memory_space<vmem>>
    %dma_start3A_94 = tpu.memref_squeeze %dma_start3A_93 : memref<1x128xi32, #tpu.memory_space<vmem>> -> memref<128xi32, #tpu.memory_space<vmem>>
    %dma_start3A_95 = tpu.memref_slice %arg3[%add3A_89] : memref<327680xi32, #tpu.memory_space<hbm>> -> memref<128xi32, #tpu.memory_space<hbm>>
    %dma_start3A_96 = tpu.memref_slice %arg13[%dma_start3A_91] : memref<4x!tpu.dma_semaphore, #tpu.memory_space<semaphore_mem>> -> memref<1x!tpu.dma_semaphore, #tpu.memory_space<semaphore_mem>>
    %dma_start3A_97 = tpu.memref_squeeze %dma_start3A_96 : memref<1x!tpu.dma_semaphore, #tpu.memory_space<semaphore_mem>> -> memref<!tpu.dma_semaphore, #tpu.memory_space<semaphore_mem>>
    %dma_start3A_98 = arith.constant 0 : i32
    %dma_start3A_99 = tpu.memref_slice %arg7[%dma_start3A_90, %dma_start3A_98] : memref<4x128xi32, #tpu.memory_space<vmem>> -> memref<1x128xi32, #tpu.memory_space<vmem>>
    %dma_start3A_100 = tpu.memref_squeeze %dma_start3A_99 : memref<1x128xi32, #tpu.memory_space<vmem>> -> memref<128xi32, #tpu.memory_space<vmem>>
    %dma_start3A_101 = tpu.memref_slice %arg3[%add3A_89] : memref<327680xi32, #tpu.memory_space<hbm>> -> memref<128xi32, #tpu.memory_space<hbm>>
    tpu.enqueue_dma source(%dma_start3A_101 : memref<128xi32, #tpu.memory_space<hbm>>) target(%dma_start3A_100 : memref<128xi32, #tpu.memory_space<vmem>>) target_semaphore(%dma_start3A_97 : memref<!tpu.dma_semaphore, #tpu.memory_space<semaphore_mem>>)
    %add3A_102 = arith.constant 384 : i32
    %add3A_103 = arith.addi %mul3A_4, %add3A_102 : i32
    %dma_start3A_104 = arith.constant 3 : i32
    %dma_start3A_105 = arith.constant 3 : i32
    %dma_start3A_106 = arith.constant 0 : i32
    %dma_start3A_107 = tpu.memref_slice %arg8[%dma_start3A_104, %dma_start3A_106] : memref<4x128xi32, #tpu.memory_space<vmem>> -> memref<1x128xi32, #tpu.memory_space<vmem>>
    %dma_start3A_108 = tpu.memref_squeeze %dma_start3A_107 : memref<1x128xi32, #tpu.memory_space<vmem>> -> memref<128xi32, #tpu.memory_space<vmem>>
    %dma_start3A_109 = tpu.memref_slice %arg4[%add3A_103] : memref<327680xi32, #tpu.memory_space<hbm>> -> memref<128xi32, #tpu.memory_space<hbm>>
    %dma_start3A_110 = tpu.memref_slice %arg14[%dma_start3A_105] : memref<4x!tpu.dma_semaphore, #tpu.memory_space<semaphore_mem>> -> memref<1x!tpu.dma_semaphore, #tpu.memory_space<semaphore_mem>>
    %dma_start3A_111 = tpu.memref_squeeze %dma_start3A_110 : memref<1x!tpu.dma_semaphore, #tpu.memory_space<semaphore_mem>> -> memref<!tpu.dma_semaphore, #tpu.memory_space<semaphore_mem>>
    %dma_start3A_112 = arith.constant 0 : i32
    %dma_start3A_113 = tpu.memref_slice %arg8[%dma_start3A_104, %dma_start3A_112] : memref<4x128xi32, #tpu.memory_space<vmem>> -> memref<1x128xi32, #tpu.memory_space<vmem>>
    %dma_start3A_114 = tpu.memref_squeeze %dma_start3A_113 : memref<1x128xi32, #tpu.memory_space<vmem>> -> memref<128xi32, #tpu.memory_space<vmem>>
    %dma_start3A_115 = tpu.memref_slice %arg4[%add3A_103] : memref<327680xi32, #tpu.memory_space<hbm>> -> memref<128xi32, #tpu.memory_space<hbm>>
    tpu.enqueue_dma source(%dma_start3A_115 : memref<128xi32, #tpu.memory_space<hbm>>) target(%dma_start3A_114 : memref<128xi32, #tpu.memory_space<vmem>>) target_semaphore(%dma_start3A_111 : memref<!tpu.dma_semaphore, #tpu.memory_space<semaphore_mem>>)
    %dma_wait3A = arith.constant 0 : i32
    %dma_wait3A_116 = arith.constant 0 : i32
    %dma_wait3A_117 = arith.constant 0 : i32
    %dma_wait3A_118 = tpu.memref_slice %arg7[%dma_wait3A, %dma_wait3A_117] : memref<4x128xi32, #tpu.memory_space<vmem>> -> memref<1x128xi32, #tpu.memory_space<vmem>>
    %dma_wait3A_119 = tpu.memref_squeeze %dma_wait3A_118 : memref<1x128xi32, #tpu.memory_space<vmem>> -> memref<128xi32, #tpu.memory_space<vmem>>
    %dma_wait3A_120 = arith.constant 0 : i32
    %dma_wait3A_121 = tpu.memref_slice %arg3[%dma_wait3A_120] : memref<327680xi32, #tpu.memory_space<hbm>> -> memref<128xi32, #tpu.memory_space<hbm>>
    %dma_wait3A_122 = tpu.memref_slice %arg13[%dma_wait3A_116] : memref<4x!tpu.dma_semaphore, #tpu.memory_space<semaphore_mem>> -> memref<1x!tpu.dma_semaphore, #tpu.memory_space<semaphore_mem>>
    %dma_wait3A_123 = tpu.memref_squeeze %dma_wait3A_122 : memref<1x!tpu.dma_semaphore, #tpu.memory_space<semaphore_mem>> -> memref<!tpu.dma_semaphore, #tpu.memory_space<semaphore_mem>>
    %dma_wait3A_124 = arith.constant 0 : i32
    %dma_wait3A_125 = tpu.memref_slice %arg7[%dma_wait3A, %dma_wait3A_124] : memref<4x128xi32, #tpu.memory_space<vmem>> -> memref<1x128xi32, #tpu.memory_space<vmem>>
    %dma_wait3A_126 = tpu.memref_squeeze %dma_wait3A_125 : memref<1x128xi32, #tpu.memory_space<vmem>> -> memref<128xi32, #tpu.memory_space<vmem>>
    %dma_wait3A_127 = arith.constant 0 : i32
    %dma_wait3A_128 = tpu.memref_slice %arg3[%dma_wait3A_127] : memref<327680xi32, #tpu.memory_space<hbm>> -> memref<128xi32, #tpu.memory_space<hbm>>
    tpu.wait_dma2 semaphore(%dma_wait3A_123 : memref<!tpu.dma_semaphore, #tpu.memory_space<semaphore_mem>>) src(%dma_wait3A_128 : memref<128xi32, #tpu.memory_space<hbm>>) dst(%dma_wait3A_126 : memref<128xi32, #tpu.memory_space<vmem>>)
    %dma_wait3A_129 = arith.constant 0 : i32
    %dma_wait3A_130 = arith.constant 0 : i32
    %dma_wait3A_131 = arith.constant 0 : i32
    %dma_wait3A_132 = tpu.memref_slice %arg8[%dma_wait3A_129, %dma_wait3A_131] : memref<4x128xi32, #tpu.memory_space<vmem>> -> memref<1x128xi32, #tpu.memory_space<vmem>>
    %dma_wait3A_133 = tpu.memref_squeeze %dma_wait3A_132 : memref<1x128xi32, #tpu.memory_space<vmem>> -> memref<128xi32, #tpu.memory_space<vmem>>
    %dma_wait3A_134 = arith.constant 0 : i32
    %dma_wait3A_135 = tpu.memref_slice %arg4[%dma_wait3A_134] : memref<327680xi32, #tpu.memory_space<hbm>> -> memref<128xi32, #tpu.memory_space<hbm>>
    %dma_wait3A_136 = tpu.memref_slice %arg14[%dma_wait3A_130] : memref<4x!tpu.dma_semaphore, #tpu.memory_space<semaphore_mem>> -> memref<1x!tpu.dma_semaphore, #tpu.memory_space<semaphore_mem>>
    %dma_wait3A_137 = tpu.memref_squeeze %dma_wait3A_136 : memref<1x!tpu.dma_semaphore, #tpu.memory_space<semaphore_mem>> -> memref<!tpu.dma_semaphore, #tpu.memory_space<semaphore_mem>>
    %dma_wait3A_138 = arith.constant 0 : i32
    %dma_wait3A_139 = tpu.memref_slice %arg8[%dma_wait3A_129, %dma_wait3A_138] : memref<4x128xi32, #tpu.memory_space<vmem>> -> memref<1x128xi32, #tpu.memory_space<vmem>>
    %dma_wait3A_140 = tpu.memref_squeeze %dma_wait3A_139 : memref<1x128xi32, #tpu.memory_space<vmem>> -> memref<128xi32, #tpu.memory_space<vmem>>
    %dma_wait3A_141 = arith.constant 0 : i32
    %dma_wait3A_142 = tpu.memref_slice %arg4[%dma_wait3A_141] : memref<327680xi32, #tpu.memory_space<hbm>> -> memref<128xi32, #tpu.memory_space<hbm>>
    tpu.wait_dma2 semaphore(%dma_wait3A_137 : memref<!tpu.dma_semaphore, #tpu.memory_space<semaphore_mem>>) src(%dma_wait3A_142 : memref<128xi32, #tpu.memory_space<hbm>>) dst(%dma_wait3A_140 : memref<128xi32, #tpu.memory_space<vmem>>)
    %dma_start3A_143 = arith.constant 0 : i32
    %dma_start3A_144 = arith.constant 0 : i32
    %dma_start3A_145 = arith.constant 0 : i32
    %dma_start3A_146 = arith.constant 0 : i32
    %dma_start3A_147 = arith.constant 0 : i32
    %dma_start3A_148 = tpu.memref_slice %arg9[%dma_start3A_144, %dma_start3A_146, %dma_start3A_147] : memref<2x128x144xf32, #tpu.memory_space<vmem>> -> memref<1x128x144xf32, #tpu.memory_space<vmem>>
    %dma_start3A_149 = tpu.memref_squeeze %dma_start3A_148 : memref<1x128x144xf32, #tpu.memory_space<vmem>> -> memref<128x144xf32, #tpu.memory_space<vmem>>
    %dma_start3A_150 = arith.constant 0 : i32
    %dma_start3A_151 = tpu.memref_slice %arg7[%dma_start3A_143, %dma_start3A_150] : memref<4x128xi32, #tpu.memory_space<vmem>> -> memref<1x128xi32, #tpu.memory_space<vmem>>
    %dma_start3A_152 = tpu.memref_squeeze %dma_start3A_151 : memref<1x128xi32, #tpu.memory_space<vmem>> -> memref<128xi32, #tpu.memory_space<vmem>>
    %dma_start3A_153 = arith.constant 0 : i32
    %dma_start3A_154 = arith.constant 0 : i32
    %dma_start3A_155 = tpu.memref_slice %arg2[%dma_start3A_153, %dma_start3A_154] : memref<10000x144xf32, #tpu.memory_space<hbm>> -> memref<10000x144xf32, #tpu.memory_space<hbm>>
    %dma_start3A_156 = tpu.memref_slice %arg11[%dma_start3A_145] : memref<2x!tpu.dma_semaphore, #tpu.memory_space<semaphore_mem>> -> memref<1x!tpu.dma_semaphore, #tpu.memory_space<semaphore_mem>>
    %dma_start3A_157 = tpu.memref_squeeze %dma_start3A_156 : memref<1x!tpu.dma_semaphore, #tpu.memory_space<semaphore_mem>> -> memref<!tpu.dma_semaphore, #tpu.memory_space<semaphore_mem>>
    tpu.enqueue_indirect_dma source(%dma_start3A_155 : memref<10000x144xf32, #tpu.memory_space<hbm>>) target(%dma_start3A_149 : memref<128x144xf32, #tpu.memory_space<vmem>>) offsets(%dma_start3A_152 : memref<128xi32, #tpu.memory_space<vmem>>) semaphore(%dma_start3A_157 : memref<!tpu.dma_semaphore, #tpu.memory_space<semaphore_mem>>)
    %mul3A_158 = arith.constant 632 : i32
    %mul3A_159 = arith.muli %arg1, %mul3A_158 : i32
    "tpu.region"() ({
      %run_scoped3A = tpu.sem_alloc : memref<!tpu.dma_semaphore, #tpu.memory_space<semaphore_mem>>
      %dma_start3A_183 = arith.constant 0 : i32
      %dma_start3A_184 = tpu.memref_slice %arg10[%mul3A_159, %dma_start3A_183] : memref<10112x144xf32, #tpu.memory_space<vmem_shared>> -> memref<632x144xf32, #tpu.memory_space<vmem_shared>>
      tpu.enqueue_dma source(%arg5 : memref<632x144xf32, #tpu.memory_space<hbm>>) target(%dma_start3A_184 : memref<632x144xf32, #tpu.memory_space<vmem_shared>>) target_semaphore(%run_scoped3A : memref<!tpu.dma_semaphore, #tpu.memory_space<semaphore_mem>>)
      %dma_wait3A_185 = arith.constant 0 : i32
      %dma_wait3A_186 = tpu.memref_slice %arg10[%mul3A_159, %dma_wait3A_185] : memref<10112x144xf32, #tpu.memory_space<vmem_shared>> -> memref<632x144xf32, #tpu.memory_space<vmem_shared>>
      tpu.wait_dma2 semaphore(%run_scoped3A : memref<!tpu.dma_semaphore, #tpu.memory_space<semaphore_mem>>) src(%arg5 : memref<632x144xf32, #tpu.memory_space<hbm>>) dst(%dma_wait3A_186 : memref<632x144xf32, #tpu.memory_space<vmem_shared>>)
      tpu.yield
    }) : () -> ()
    %barrier3A = arith.constant 0 : index
    tpu.barrier barrier_id(%barrier3A)
    %scan3A = arith.constant 0 : i32
    %scan3A_160 = arith.constant 0 : i32
    %scan3A_161 = arith.constant 20 : i32
    %scan3A_162 = arith.addi %scan3A_160, %scan3A_161 : i32
    %scan3A_163 = arith.constant 1 : i32
    scf.for %scan3A_183 = %scan3A_160 to %scan3A_162 step %scan3A_163  : i32 {
      %mul3A_184 = arith.constant 4 : i32
      %mul3A_185 = arith.muli %scan3A_183, %mul3A_184 : i32
      %add3A_186 = arith.constant 0 : i32
      %add3A_187 = arith.addi %mul3A_185, %add3A_186 : i32
      %dma_wait3A_188 = arith.constant 0 : i32
      %dma_wait3A_189 = arith.constant 0 : i32
      %dma_wait3A_190 = arith.constant 0 : i32
      %dma_wait3A_191 = arith.constant 0 : i32
      %dma_wait3A_192 = arith.constant 0 : i32
      %dma_wait3A_193 = tpu.memref_slice %arg9[%dma_wait3A_189, %dma_wait3A_191, %dma_wait3A_192] : memref<2x128x144xf32, #tpu.memory_space<vmem>> -> memref<1x128x144xf32, #tpu.memory_space<vmem>>
      %dma_wait3A_194 = tpu.memref_squeeze %dma_wait3A_193 : memref<1x128x144xf32, #tpu.memory_space<vmem>> -> memref<128x144xf32, #tpu.memory_space<vmem>>
      %dma_wait3A_195 = arith.constant 0 : i32
      %dma_wait3A_196 = tpu.memref_slice %arg7[%dma_wait3A_188, %dma_wait3A_195] : memref<4x128xi32, #tpu.memory_space<vmem>> -> memref<1x128xi32, #tpu.memory_space<vmem>>
      %dma_wait3A_197 = tpu.memref_squeeze %dma_wait3A_196 : memref<1x128xi32, #tpu.memory_space<vmem>> -> memref<128xi32, #tpu.memory_space<vmem>>
      %dma_wait3A_198 = arith.constant 0 : i32
      %dma_wait3A_199 = arith.constant 0 : i32
      %dma_wait3A_200 = tpu.memref_slice %arg2[%dma_wait3A_198, %dma_wait3A_199] : memref<10000x144xf32, #tpu.memory_space<hbm>> -> memref<10000x144xf32, #tpu.memory_space<hbm>>
      %dma_wait3A_201 = tpu.memref_slice %arg11[%dma_wait3A_190] : memref<2x!tpu.dma_semaphore, #tpu.memory_space<semaphore_mem>> -> memref<1x!tpu.dma_semaphore, #tpu.memory_space<semaphore_mem>>
      %dma_wait3A_202 = tpu.memref_squeeze %dma_wait3A_201 : memref<1x!tpu.dma_semaphore, #tpu.memory_space<semaphore_mem>> -> memref<!tpu.dma_semaphore, #tpu.memory_space<semaphore_mem>>
      tpu.wait_indirect_dma semaphore(%dma_wait3A_202 : memref<!tpu.dma_semaphore, #tpu.memory_space<semaphore_mem>>) src(%dma_wait3A_200 : memref<10000x144xf32, #tpu.memory_space<hbm>>) dst(%dma_wait3A_194 : memref<128x144xf32, #tpu.memory_space<vmem>>)
      %dma_start3A_203 = arith.constant 0 : i32
      %dma_start3A_204 = arith.constant 0 : i32
      %dma_start3A_205 = arith.constant 0 : i32
      %dma_start3A_206 = arith.constant 0 : i32
      %dma_start3A_207 = arith.constant 0 : i32
      %dma_start3A_208 = tpu.memref_slice %arg9[%dma_start3A_203, %dma_start3A_206, %dma_start3A_207] : memref<2x128x144xf32, #tpu.memory_space<vmem>> -> memref<1x128x144xf32, #tpu.memory_space<vmem>>
      %dma_start3A_209 = tpu.memref_squeeze %dma_start3A_208 : memref<1x128x144xf32, #tpu.memory_space<vmem>> -> memref<128x144xf32, #tpu.memory_space<vmem>>
      %dma_start3A_210 = arith.constant 0 : i32
      %dma_start3A_211 = tpu.memref_slice %arg8[%dma_start3A_204, %dma_start3A_210] : memref<4x128xi32, #tpu.memory_space<vmem>> -> memref<1x128xi32, #tpu.memory_space<vmem>>
      %dma_start3A_212 = tpu.memref_squeeze %dma_start3A_211 : memref<1x128xi32, #tpu.memory_space<vmem>> -> memref<128xi32, #tpu.memory_space<vmem>>
      %dma_start3A_213 = arith.constant 0 : i32
      %dma_start3A_214 = arith.constant 0 : i32
      %dma_start3A_215 = tpu.memref_slice %arg10[%dma_start3A_213, %dma_start3A_214] : memref<10112x144xf32, #tpu.memory_space<vmem_shared>> -> memref<10112x144xf32, #tpu.memory_space<vmem_shared>>
      %dma_start3A_216 = tpu.memref_slice %arg12[%dma_start3A_205] : memref<2x!tpu.dma_semaphore, #tpu.memory_space<semaphore_mem>> -> memref<1x!tpu.dma_semaphore, #tpu.memory_space<semaphore_mem>>
      %dma_start3A_217 = tpu.memref_squeeze %dma_start3A_216 : memref<1x!tpu.dma_semaphore, #tpu.memory_space<semaphore_mem>> -> memref<!tpu.dma_semaphore, #tpu.memory_space<semaphore_mem>>
      tpu.enqueue_indirect_dma source(%dma_start3A_209 : memref<128x144xf32, #tpu.memory_space<vmem>>) target(%dma_start3A_215 : memref<10112x144xf32, #tpu.memory_space<vmem_shared>>) offsets(%dma_start3A_212 : memref<128xi32, #tpu.memory_space<vmem>>) semaphore(%dma_start3A_217 : memref<!tpu.dma_semaphore, #tpu.memory_space<semaphore_mem>>) {add = true}
      %gt3A = arith.constant 0 : i32
      %gt3A_218 = arith.cmpi sgt, %scan3A_183, %gt3A : i32
      %convert_element_type3A_219 = arith.extui %gt3A_218 : i1 to i32
      %cond3A_220 = arith.constant 0 : i32
      %cond3A_221 = arith.cmpi ne, %convert_element_type3A_219, %cond3A_220 : i32
      scf.if %cond3A_221 {
        %dma_wait3A_430 = arith.constant 1 : i32
        %dma_wait3A_431 = arith.constant 3 : i32
        %dma_wait3A_432 = arith.constant 1 : i32
        %dma_wait3A_433 = arith.constant 0 : i32
        %dma_wait3A_434 = arith.constant 0 : i32
        %dma_wait3A_435 = tpu.memref_slice %arg9[%dma_wait3A_430, %dma_wait3A_433, %dma_wait3A_434] : memref<2x128x144xf32, #tpu.memory_space<vmem>> -> memref<1x128x144xf32, #tpu.memory_space<vmem>>
        %dma_wait3A_436 = tpu.memref_squeeze %dma_wait3A_435 : memref<1x128x144xf32, #tpu.memory_space<vmem>> -> memref<128x144xf32, #tpu.memory_space<vmem>>
        %dma_wait3A_437 = arith.constant 0 : i32
        %dma_wait3A_438 = tpu.memref_slice %arg8[%dma_wait3A_431, %dma_wait3A_437] : memref<4x128xi32, #tpu.memory_space<vmem>> -> memref<1x128xi32, #tpu.memory_space<vmem>>
        %dma_wait3A_439 = tpu.memref_squeeze %dma_wait3A_438 : memref<1x128xi32, #tpu.memory_space<vmem>> -> memref<128xi32, #tpu.memory_space<vmem>>
        %dma_wait3A_440 = arith.constant 0 : i32
        %dma_wait3A_441 = arith.constant 0 : i32
        %dma_wait3A_442 = tpu.memref_slice %arg10[%dma_wait3A_440, %dma_wait3A_441] : memref<10112x144xf32, #tpu.memory_space<vmem_shared>> -> memref<10112x144xf32, #tpu.memory_space<vmem_shared>>
        %dma_wait3A_443 = tpu.memref_slice %arg12[%dma_wait3A_432] : memref<2x!tpu.dma_semaphore, #tpu.memory_space<semaphore_mem>> -> memref<1x!tpu.dma_semaphore, #tpu.memory_space<semaphore_mem>>
        %dma_wait3A_444 = tpu.memref_squeeze %dma_wait3A_443 : memref<1x!tpu.dma_semaphore, #tpu.memory_space<semaphore_mem>> -> memref<!tpu.dma_semaphore, #tpu.memory_space<semaphore_mem>>
        tpu.wait_indirect_dma semaphore(%dma_wait3A_444 : memref<!tpu.dma_semaphore, #tpu.memory_space<semaphore_mem>>) src(%dma_wait3A_436 : memref<128x144xf32, #tpu.memory_space<vmem>>) dst(%dma_wait3A_442 : memref<10112x144xf32, #tpu.memory_space<vmem_shared>>)
      } else {
      }
      %gt3A_222 = arith.constant 0 : i32
      %gt3A_223 = arith.cmpi sgt, %add3A_187, %gt3A_222 : i32
      %add3A_224 = arith.constant 3 : i32
      %add3A_225 = arith.addi %add3A_187, %add3A_224 : i32
      %lt3A_226 = arith.constant 80 : i32
      %lt3A_227 = arith.cmpi slt, %add3A_225, %lt3A_226 : i32
      %and3A = arith.andi %gt3A_223, %lt3A_227 : i1
      %convert_element_type3A_228 = arith.extui %and3A : i1 to i32
      %cond3A_229 = arith.constant 0 : i32
      %cond3A_230 = arith.cmpi ne, %convert_element_type3A_228, %cond3A_229 : i32
      scf.if %cond3A_230 {
        %add3A_430 = arith.constant 3 : i32
        %add3A_431 = arith.addi %add3A_187, %add3A_430 : i32
        %mul3A_432 = arith.constant 128 : i32
        %mul3A_433 = arith.muli %add3A_431, %mul3A_432 : i32
        %add3A_434 = arith.addi %mul3A_4, %mul3A_433 : i32
        %dma_start3A_435 = arith.constant 3 : i32
        %dma_start3A_436 = arith.constant 3 : i32
        %dma_start3A_437 = arith.constant 0 : i32
        %dma_start3A_438 = tpu.memref_slice %arg7[%dma_start3A_435, %dma_start3A_437] : memref<4x128xi32, #tpu.memory_space<vmem>> -> memref<1x128xi32, #tpu.memory_space<vmem>>
        %dma_start3A_439 = tpu.memref_squeeze %dma_start3A_438 : memref<1x128xi32, #tpu.memory_space<vmem>> -> memref<128xi32, #tpu.memory_space<vmem>>
        %dma_start3A_440 = tpu.memref_slice %arg3[%add3A_434] : memref<327680xi32, #tpu.memory_space<hbm>> -> memref<128xi32, #tpu.memory_space<hbm>>
        %dma_start3A_441 = tpu.memref_slice %arg13[%dma_start3A_436] : memref<4x!tpu.dma_semaphore, #tpu.memory_space<semaphore_mem>> -> memref<1x!tpu.dma_semaphore, #tpu.memory_space<semaphore_mem>>
        %dma_start3A_442 = tpu.memref_squeeze %dma_start3A_441 : memref<1x!tpu.dma_semaphore, #tpu.memory_space<semaphore_mem>> -> memref<!tpu.dma_semaphore, #tpu.memory_space<semaphore_mem>>
        %dma_start3A_443 = arith.constant 0 : i32
        %dma_start3A_444 = tpu.memref_slice %arg7[%dma_start3A_435, %dma_start3A_443] : memref<4x128xi32, #tpu.memory_space<vmem>> -> memref<1x128xi32, #tpu.memory_space<vmem>>
        %dma_start3A_445 = tpu.memref_squeeze %dma_start3A_444 : memref<1x128xi32, #tpu.memory_space<vmem>> -> memref<128xi32, #tpu.memory_space<vmem>>
        %dma_start3A_446 = tpu.memref_slice %arg3[%add3A_434] : memref<327680xi32, #tpu.memory_space<hbm>> -> memref<128xi32, #tpu.memory_space<hbm>>
        tpu.enqueue_dma source(%dma_start3A_446 : memref<128xi32, #tpu.memory_space<hbm>>) target(%dma_start3A_445 : memref<128xi32, #tpu.memory_space<vmem>>) target_semaphore(%dma_start3A_442 : memref<!tpu.dma_semaphore, #tpu.memory_space<semaphore_mem>>)
        %mul3A_447 = arith.constant 128 : i32
        %mul3A_448 = arith.muli %add3A_431, %mul3A_447 : i32
        %add3A_449 = arith.addi %mul3A_4, %mul3A_448 : i32
        %dma_start3A_450 = arith.constant 3 : i32
        %dma_start3A_451 = arith.constant 3 : i32
        %dma_start3A_452 = arith.constant 0 : i32
        %dma_start3A_453 = tpu.memref_slice %arg8[%dma_start3A_450, %dma_start3A_452] : memref<4x128xi32, #tpu.memory_space<vmem>> -> memref<1x128xi32, #tpu.memory_space<vmem>>
        %dma_start3A_454 = tpu.memref_squeeze %dma_start3A_453 : memref<1x128xi32, #tpu.memory_space<vmem>> -> memref<128xi32, #tpu.memory_space<vmem>>
        %dma_start3A_455 = tpu.memref_slice %arg4[%add3A_449] : memref<327680xi32, #tpu.memory_space<hbm>> -> memref<128xi32, #tpu.memory_space<hbm>>
        %dma_start3A_456 = tpu.memref_slice %arg14[%dma_start3A_451] : memref<4x!tpu.dma_semaphore, #tpu.memory_space<semaphore_mem>> -> memref<1x!tpu.dma_semaphore, #tpu.memory_space<semaphore_mem>>
        %dma_start3A_457 = tpu.memref_squeeze %dma_start3A_456 : memref<1x!tpu.dma_semaphore, #tpu.memory_space<semaphore_mem>> -> memref<!tpu.dma_semaphore, #tpu.memory_space<semaphore_mem>>
        %dma_start3A_458 = arith.constant 0 : i32
        %dma_start3A_459 = tpu.memref_slice %arg8[%dma_start3A_450, %dma_start3A_458] : memref<4x128xi32, #tpu.memory_space<vmem>> -> memref<1x128xi32, #tpu.memory_space<vmem>>
        %dma_start3A_460 = tpu.memref_squeeze %dma_start3A_459 : memref<1x128xi32, #tpu.memory_space<vmem>> -> memref<128xi32, #tpu.memory_space<vmem>>
        %dma_start3A_461 = tpu.memref_slice %arg4[%add3A_449] : memref<327680xi32, #tpu.memory_space<hbm>> -> memref<128xi32, #tpu.memory_space<hbm>>
        tpu.enqueue_dma source(%dma_start3A_461 : memref<128xi32, #tpu.memory_space<hbm>>) target(%dma_start3A_460 : memref<128xi32, #tpu.memory_space<vmem>>) target_semaphore(%dma_start3A_457 : memref<!tpu.dma_semaphore, #tpu.memory_space<semaphore_mem>>)
      } else {
      }
      %add3A_231 = arith.constant 1 : i32
      %add3A_232 = arith.addi %add3A_187, %add3A_231 : i32
      %lt3A_233 = arith.constant 80 : i32
      %lt3A_234 = arith.cmpi slt, %add3A_232, %lt3A_233 : i32
      %convert_element_type3A_235 = arith.extui %lt3A_234 : i1 to i32
      %cond3A_236 = arith.constant 0 : i32
      %cond3A_237 = arith.cmpi ne, %convert_element_type3A_235, %cond3A_236 : i32
      scf.if %cond3A_237 {
        %dma_wait3A_430 = arith.constant 1 : i32
        %dma_wait3A_431 = arith.constant 1 : i32
        %dma_wait3A_432 = arith.constant 0 : i32
        %dma_wait3A_433 = tpu.memref_slice %arg7[%dma_wait3A_430, %dma_wait3A_432] : memref<4x128xi32, #tpu.memory_space<vmem>> -> memref<1x128xi32, #tpu.memory_space<vmem>>
        %dma_wait3A_434 = tpu.memref_squeeze %dma_wait3A_433 : memref<1x128xi32, #tpu.memory_space<vmem>> -> memref<128xi32, #tpu.memory_space<vmem>>
        %dma_wait3A_435 = arith.constant 0 : i32
        %dma_wait3A_436 = tpu.memref_slice %arg3[%dma_wait3A_435] : memref<327680xi32, #tpu.memory_space<hbm>> -> memref<128xi32, #tpu.memory_space<hbm>>
        %dma_wait3A_437 = tpu.memref_slice %arg13[%dma_wait3A_431] : memref<4x!tpu.dma_semaphore, #tpu.memory_space<semaphore_mem>> -> memref<1x!tpu.dma_semaphore, #tpu.memory_space<semaphore_mem>>
        %dma_wait3A_438 = tpu.memref_squeeze %dma_wait3A_437 : memref<1x!tpu.dma_semaphore, #tpu.memory_space<semaphore_mem>> -> memref<!tpu.dma_semaphore, #tpu.memory_space<semaphore_mem>>
        %dma_wait3A_439 = arith.constant 0 : i32
        %dma_wait3A_440 = tpu.memref_slice %arg7[%dma_wait3A_430, %dma_wait3A_439] : memref<4x128xi32, #tpu.memory_space<vmem>> -> memref<1x128xi32, #tpu.memory_space<vmem>>
        %dma_wait3A_441 = tpu.memref_squeeze %dma_wait3A_440 : memref<1x128xi32, #tpu.memory_space<vmem>> -> memref<128xi32, #tpu.memory_space<vmem>>
        %dma_wait3A_442 = arith.constant 0 : i32
        %dma_wait3A_443 = tpu.memref_slice %arg3[%dma_wait3A_442] : memref<327680xi32, #tpu.memory_space<hbm>> -> memref<128xi32, #tpu.memory_space<hbm>>
        tpu.wait_dma2 semaphore(%dma_wait3A_438 : memref<!tpu.dma_semaphore, #tpu.memory_space<semaphore_mem>>) src(%dma_wait3A_443 : memref<128xi32, #tpu.memory_space<hbm>>) dst(%dma_wait3A_441 : memref<128xi32, #tpu.memory_space<vmem>>)
        %dma_wait3A_444 = arith.constant 1 : i32
        %dma_wait3A_445 = arith.constant 1 : i32
        %dma_wait3A_446 = arith.constant 0 : i32
        %dma_wait3A_447 = tpu.memref_slice %arg8[%dma_wait3A_444, %dma_wait3A_446] : memref<4x128xi32, #tpu.memory_space<vmem>> -> memref<1x128xi32, #tpu.memory_space<vmem>>
        %dma_wait3A_448 = tpu.memref_squeeze %dma_wait3A_447 : memref<1x128xi32, #tpu.memory_space<vmem>> -> memref<128xi32, #tpu.memory_space<vmem>>
        %dma_wait3A_449 = arith.constant 0 : i32
        %dma_wait3A_450 = tpu.memref_slice %arg4[%dma_wait3A_449] : memref<327680xi32, #tpu.memory_space<hbm>> -> memref<128xi32, #tpu.memory_space<hbm>>
        %dma_wait3A_451 = tpu.memref_slice %arg14[%dma_wait3A_445] : memref<4x!tpu.dma_semaphore, #tpu.memory_space<semaphore_mem>> -> memref<1x!tpu.dma_semaphore, #tpu.memory_space<semaphore_mem>>
        %dma_wait3A_452 = tpu.memref_squeeze %dma_wait3A_451 : memref<1x!tpu.dma_semaphore, #tpu.memory_space<semaphore_mem>> -> memref<!tpu.dma_semaphore, #tpu.memory_space<semaphore_mem>>
        %dma_wait3A_453 = arith.constant 0 : i32
        %dma_wait3A_454 = tpu.memref_slice %arg8[%dma_wait3A_444, %dma_wait3A_453] : memref<4x128xi32, #tpu.memory_space<vmem>> -> memref<1x128xi32, #tpu.memory_space<vmem>>
        %dma_wait3A_455 = tpu.memref_squeeze %dma_wait3A_454 : memref<1x128xi32, #tpu.memory_space<vmem>> -> memref<128xi32, #tpu.memory_space<vmem>>
        %dma_wait3A_456 = arith.constant 0 : i32
        %dma_wait3A_457 = tpu.memref_slice %arg4[%dma_wait3A_456] : memref<327680xi32, #tpu.memory_space<hbm>> -> memref<128xi32, #tpu.memory_space<hbm>>
        tpu.wait_dma2 semaphore(%dma_wait3A_452 : memref<!tpu.dma_semaphore, #tpu.memory_space<semaphore_mem>>) src(%dma_wait3A_457 : memref<128xi32, #tpu.memory_space<hbm>>) dst(%dma_wait3A_455 : memref<128xi32, #tpu.memory_space<vmem>>)
        %dma_start3A_458 = arith.constant 1 : i32
        %dma_start3A_459 = arith.constant 1 : i32
        %dma_start3A_460 = arith.constant 1 : i32
        %dma_start3A_461 = arith.constant 0 : i32
        %dma_start3A_462 = arith.constant 0 : i32
        %dma_start3A_463 = tpu.memref_slice %arg9[%dma_start3A_459, %dma_start3A_461, %dma_start3A_462] : memref<2x128x144xf32, #tpu.memory_space<vmem>> -> memref<1x128x144xf32, #tpu.memory_space<vmem>>
        %dma_start3A_464 = tpu.memref_squeeze %dma_start3A_463 : memref<1x128x144xf32, #tpu.memory_space<vmem>> -> memref<128x144xf32, #tpu.memory_space<vmem>>
        %dma_start3A_465 = arith.constant 0 : i32
        %dma_start3A_466 = tpu.memref_slice %arg7[%dma_start3A_458, %dma_start3A_465] : memref<4x128xi32, #tpu.memory_space<vmem>> -> memref<1x128xi32, #tpu.memory_space<vmem>>
        %dma_start3A_467 = tpu.memref_squeeze %dma_start3A_466 : memref<1x128xi32, #tpu.memory_space<vmem>> -> memref<128xi32, #tpu.memory_space<vmem>>
        %dma_start3A_468 = arith.constant 0 : i32
        %dma_start3A_469 = arith.constant 0 : i32
        %dma_start3A_470 = tpu.memref_slice %arg2[%dma_start3A_468, %dma_start3A_469] : memref<10000x144xf32, #tpu.memory_space<hbm>> -> memref<10000x144xf32, #tpu.memory_space<hbm>>
        %dma_start3A_471 = tpu.memref_slice %arg11[%dma_start3A_460] : memref<2x!tpu.dma_semaphore, #tpu.memory_space<semaphore_mem>> -> memref<1x!tpu.dma_semaphore, #tpu.memory_space<semaphore_mem>>
        %dma_start3A_472 = tpu.memref_squeeze %dma_start3A_471 : memref<1x!tpu.dma_semaphore, #tpu.memory_space<semaphore_mem>> -> memref<!tpu.dma_semaphore, #tpu.memory_space<semaphore_mem>>
        tpu.enqueue_indirect_dma source(%dma_start3A_470 : memref<10000x144xf32, #tpu.memory_space<hbm>>) target(%dma_start3A_464 : memref<128x144xf32, #tpu.memory_space<vmem>>) offsets(%dma_start3A_467 : memref<128xi32, #tpu.memory_space<vmem>>) semaphore(%dma_start3A_472 : memref<!tpu.dma_semaphore, #tpu.memory_space<semaphore_mem>>)
      } else {
      }
      %add3A_238 = arith.constant 1 : i32
      %add3A_239 = arith.addi %mul3A_185, %add3A_238 : i32
      %dma_wait3A_240 = arith.constant 1 : i32
      %dma_wait3A_241 = arith.constant 1 : i32
      %dma_wait3A_242 = arith.constant 1 : i32
      %dma_wait3A_243 = arith.constant 0 : i32
      %dma_wait3A_244 = arith.constant 0 : i32
      %dma_wait3A_245 = tpu.memref_slice %arg9[%dma_wait3A_241, %dma_wait3A_243, %dma_wait3A_244] : memref<2x128x144xf32, #tpu.memory_space<vmem>> -> memref<1x128x144xf32, #tpu.memory_space<vmem>>
      %dma_wait3A_246 = tpu.memref_squeeze %dma_wait3A_245 : memref<1x128x144xf32, #tpu.memory_space<vmem>> -> memref<128x144xf32, #tpu.memory_space<vmem>>
      %dma_wait3A_247 = arith.constant 0 : i32
      %dma_wait3A_248 = tpu.memref_slice %arg7[%dma_wait3A_240, %dma_wait3A_247] : memref<4x128xi32, #tpu.memory_space<vmem>> -> memref<1x128xi32, #tpu.memory_space<vmem>>
      %dma_wait3A_249 = tpu.memref_squeeze %dma_wait3A_248 : memref<1x128xi32, #tpu.memory_space<vmem>> -> memref<128xi32, #tpu.memory_space<vmem>>
      %dma_wait3A_250 = arith.constant 0 : i32
      %dma_wait3A_251 = arith.constant 0 : i32
      %dma_wait3A_252 = tpu.memref_slice %arg2[%dma_wait3A_250, %dma_wait3A_251] : memref<10000x144xf32, #tpu.memory_space<hbm>> -> memref<10000x144xf32, #tpu.memory_space<hbm>>
      %dma_wait3A_253 = tpu.memref_slice %arg11[%dma_wait3A_242] : memref<2x!tpu.dma_semaphore, #tpu.memory_space<semaphore_mem>> -> memref<1x!tpu.dma_semaphore, #tpu.memory_space<semaphore_mem>>
      %dma_wait3A_254 = tpu.memref_squeeze %dma_wait3A_253 : memref<1x!tpu.dma_semaphore, #tpu.memory_space<semaphore_mem>> -> memref<!tpu.dma_semaphore, #tpu.memory_space<semaphore_mem>>
      tpu.wait_indirect_dma semaphore(%dma_wait3A_254 : memref<!tpu.dma_semaphore, #tpu.memory_space<semaphore_mem>>) src(%dma_wait3A_252 : memref<10000x144xf32, #tpu.memory_space<hbm>>) dst(%dma_wait3A_246 : memref<128x144xf32, #tpu.memory_space<vmem>>)
      %dma_start3A_255 = arith.constant 1 : i32
      %dma_start3A_256 = arith.constant 1 : i32
      %dma_start3A_257 = arith.constant 1 : i32
      %dma_start3A_258 = arith.constant 0 : i32
      %dma_start3A_259 = arith.constant 0 : i32
      %dma_start3A_260 = tpu.memref_slice %arg9[%dma_start3A_255, %dma_start3A_258, %dma_start3A_259] : memref<2x128x144xf32, #tpu.memory_space<vmem>> -> memref<1x128x144xf32, #tpu.memory_space<vmem>>
      %dma_start3A_261 = tpu.memref_squeeze %dma_start3A_260 : memref<1x128x144xf32, #tpu.memory_space<vmem>> -> memref<128x144xf32, #tpu.memory_space<vmem>>
      %dma_start3A_262 = arith.constant 0 : i32
      %dma_start3A_263 = tpu.memref_slice %arg8[%dma_start3A_256, %dma_start3A_262] : memref<4x128xi32, #tpu.memory_space<vmem>> -> memref<1x128xi32, #tpu.memory_space<vmem>>
      %dma_start3A_264 = tpu.memref_squeeze %dma_start3A_263 : memref<1x128xi32, #tpu.memory_space<vmem>> -> memref<128xi32, #tpu.memory_space<vmem>>
      %dma_start3A_265 = arith.constant 0 : i32
      %dma_start3A_266 = arith.constant 0 : i32
      %dma_start3A_267 = tpu.memref_slice %arg10[%dma_start3A_265, %dma_start3A_266] : memref<10112x144xf32, #tpu.memory_space<vmem_shared>> -> memref<10112x144xf32, #tpu.memory_space<vmem_shared>>
      %dma_start3A_268 = tpu.memref_slice %arg12[%dma_start3A_257] : memref<2x!tpu.dma_semaphore, #tpu.memory_space<semaphore_mem>> -> memref<1x!tpu.dma_semaphore, #tpu.memory_space<semaphore_mem>>
      %dma_start3A_269 = tpu.memref_squeeze %dma_start3A_268 : memref<1x!tpu.dma_semaphore, #tpu.memory_space<semaphore_mem>> -> memref<!tpu.dma_semaphore, #tpu.memory_space<semaphore_mem>>
      tpu.enqueue_indirect_dma source(%dma_start3A_261 : memref<128x144xf32, #tpu.memory_space<vmem>>) target(%dma_start3A_267 : memref<10112x144xf32, #tpu.memory_space<vmem_shared>>) offsets(%dma_start3A_264 : memref<128xi32, #tpu.memory_space<vmem>>) semaphore(%dma_start3A_269 : memref<!tpu.dma_semaphore, #tpu.memory_space<semaphore_mem>>) {add = true}
      %dma_wait3A_270 = arith.constant 0 : i32
      %dma_wait3A_271 = arith.constant 0 : i32
      %dma_wait3A_272 = arith.constant 0 : i32
      %dma_wait3A_273 = arith.constant 0 : i32
      %dma_wait3A_274 = arith.constant 0 : i32
      %dma_wait3A_275 = tpu.memref_slice %arg9[%dma_wait3A_270, %dma_wait3A_273, %dma_wait3A_274] : memref<2x128x144xf32, #tpu.memory_space<vmem>> -> memref<1x128x144xf32, #tpu.memory_space<vmem>>
      %dma_wait3A_276 = tpu.memref_squeeze %dma_wait3A_275 : memref<1x128x144xf32, #tpu.memory_space<vmem>> -> memref<128x144xf32, #tpu.memory_space<vmem>>
      %dma_wait3A_277 = arith.constant 0 : i32
      %dma_wait3A_278 = tpu.memref_slice %arg8[%dma_wait3A_271, %dma_wait3A_277] : memref<4x128xi32, #tpu.memory_space<vmem>> -> memref<1x128xi32, #tpu.memory_space<vmem>>
      %dma_wait3A_279 = tpu.memref_squeeze %dma_wait3A_278 : memref<1x128xi32, #tpu.memory_space<vmem>> -> memref<128xi32, #tpu.memory_space<vmem>>
      %dma_wait3A_280 = arith.constant 0 : i32
      %dma_wait3A_281 = arith.constant 0 : i32
      %dma_wait3A_282 = tpu.memref_slice %arg10[%dma_wait3A_280, %dma_wait3A_281] : memref<10112x144xf32, #tpu.memory_space<vmem_shared>> -> memref<10112x144xf32, #tpu.memory_space<vmem_shared>>
      %dma_wait3A_283 = tpu.memref_slice %arg12[%dma_wait3A_272] : memref<2x!tpu.dma_semaphore, #tpu.memory_space<semaphore_mem>> -> memref<1x!tpu.dma_semaphore, #tpu.memory_space<semaphore_mem>>
      %dma_wait3A_284 = tpu.memref_squeeze %dma_wait3A_283 : memref<1x!tpu.dma_semaphore, #tpu.memory_space<semaphore_mem>> -> memref<!tpu.dma_semaphore, #tpu.memory_space<semaphore_mem>>
      tpu.wait_indirect_dma semaphore(%dma_wait3A_284 : memref<!tpu.dma_semaphore, #tpu.memory_space<semaphore_mem>>) src(%dma_wait3A_276 : memref<128x144xf32, #tpu.memory_space<vmem>>) dst(%dma_wait3A_282 : memref<10112x144xf32, #tpu.memory_space<vmem_shared>>)
      %gt3A_285 = arith.constant 0 : i32
      %gt3A_286 = arith.cmpi sgt, %add3A_239, %gt3A_285 : i32
      %add3A_287 = arith.constant 3 : i32
      %add3A_288 = arith.addi %add3A_239, %add3A_287 : i32
      %lt3A_289 = arith.constant 80 : i32
      %lt3A_290 = arith.cmpi slt, %add3A_288, %lt3A_289 : i32
      %and3A_291 = arith.andi %gt3A_286, %lt3A_290 : i1
      %convert_element_type3A_292 = arith.extui %and3A_291 : i1 to i32
      %cond3A_293 = arith.constant 0 : i32
      %cond3A_294 = arith.cmpi ne, %convert_element_type3A_292, %cond3A_293 : i32
      scf.if %cond3A_294 {
        %add3A_430 = arith.constant 3 : i32
        %add3A_431 = arith.addi %add3A_239, %add3A_430 : i32
        %mul3A_432 = arith.constant 128 : i32
        %mul3A_433 = arith.muli %add3A_431, %mul3A_432 : i32
        %add3A_434 = arith.addi %mul3A_4, %mul3A_433 : i32
        %dma_start3A_435 = arith.constant 0 : i32
        %dma_start3A_436 = arith.constant 0 : i32
        %dma_start3A_437 = arith.constant 0 : i32
        %dma_start3A_438 = tpu.memref_slice %arg7[%dma_start3A_435, %dma_start3A_437] : memref<4x128xi32, #tpu.memory_space<vmem>> -> memref<1x128xi32, #tpu.memory_space<vmem>>
        %dma_start3A_439 = tpu.memref_squeeze %dma_start3A_438 : memref<1x128xi32, #tpu.memory_space<vmem>> -> memref<128xi32, #tpu.memory_space<vmem>>
        %dma_start3A_440 = tpu.memref_slice %arg3[%add3A_434] : memref<327680xi32, #tpu.memory_space<hbm>> -> memref<128xi32, #tpu.memory_space<hbm>>
        %dma_start3A_441 = tpu.memref_slice %arg13[%dma_start3A_436] : memref<4x!tpu.dma_semaphore, #tpu.memory_space<semaphore_mem>> -> memref<1x!tpu.dma_semaphore, #tpu.memory_space<semaphore_mem>>
        %dma_start3A_442 = tpu.memref_squeeze %dma_start3A_441 : memref<1x!tpu.dma_semaphore, #tpu.memory_space<semaphore_mem>> -> memref<!tpu.dma_semaphore, #tpu.memory_space<semaphore_mem>>
        %dma_start3A_443 = arith.constant 0 : i32
        %dma_start3A_444 = tpu.memref_slice %arg7[%dma_start3A_435, %dma_start3A_443] : memref<4x128xi32, #tpu.memory_space<vmem>> -> memref<1x128xi32, #tpu.memory_space<vmem>>
        %dma_start3A_445 = tpu.memref_squeeze %dma_start3A_444 : memref<1x128xi32, #tpu.memory_space<vmem>> -> memref<128xi32, #tpu.memory_space<vmem>>
        %dma_start3A_446 = tpu.memref_slice %arg3[%add3A_434] : memref<327680xi32, #tpu.memory_space<hbm>> -> memref<128xi32, #tpu.memory_space<hbm>>
        tpu.enqueue_dma source(%dma_start3A_446 : memref<128xi32, #tpu.memory_space<hbm>>) target(%dma_start3A_445 : memref<128xi32, #tpu.memory_space<vmem>>) target_semaphore(%dma_start3A_442 : memref<!tpu.dma_semaphore, #tpu.memory_space<semaphore_mem>>)
        %mul3A_447 = arith.constant 128 : i32
        %mul3A_448 = arith.muli %add3A_431, %mul3A_447 : i32
        %add3A_449 = arith.addi %mul3A_4, %mul3A_448 : i32
        %dma_start3A_450 = arith.constant 0 : i32
        %dma_start3A_451 = arith.constant 0 : i32
        %dma_start3A_452 = arith.constant 0 : i32
        %dma_start3A_453 = tpu.memref_slice %arg8[%dma_start3A_450, %dma_start3A_452] : memref<4x128xi32, #tpu.memory_space<vmem>> -> memref<1x128xi32, #tpu.memory_space<vmem>>
        %dma_start3A_454 = tpu.memref_squeeze %dma_start3A_453 : memref<1x128xi32, #tpu.memory_space<vmem>> -> memref<128xi32, #tpu.memory_space<vmem>>
        %dma_start3A_455 = tpu.memref_slice %arg4[%add3A_449] : memref<327680xi32, #tpu.memory_space<hbm>> -> memref<128xi32, #tpu.memory_space<hbm>>
        %dma_start3A_456 = tpu.memref_slice %arg14[%dma_start3A_451] : memref<4x!tpu.dma_semaphore, #tpu.memory_space<semaphore_mem>> -> memref<1x!tpu.dma_semaphore, #tpu.memory_space<semaphore_mem>>
        %dma_start3A_457 = tpu.memref_squeeze %dma_start3A_456 : memref<1x!tpu.dma_semaphore, #tpu.memory_space<semaphore_mem>> -> memref<!tpu.dma_semaphore, #tpu.memory_space<semaphore_mem>>
        %dma_start3A_458 = arith.constant 0 : i32
        %dma_start3A_459 = tpu.memref_slice %arg8[%dma_start3A_450, %dma_start3A_458] : memref<4x128xi32, #tpu.memory_space<vmem>> -> memref<1x128xi32, #tpu.memory_space<vmem>>
        %dma_start3A_460 = tpu.memref_squeeze %dma_start3A_459 : memref<1x128xi32, #tpu.memory_space<vmem>> -> memref<128xi32, #tpu.memory_space<vmem>>
        %dma_start3A_461 = tpu.memref_slice %arg4[%add3A_449] : memref<327680xi32, #tpu.memory_space<hbm>> -> memref<128xi32, #tpu.memory_space<hbm>>
        tpu.enqueue_dma source(%dma_start3A_461 : memref<128xi32, #tpu.memory_space<hbm>>) target(%dma_start3A_460 : memref<128xi32, #tpu.memory_space<vmem>>) target_semaphore(%dma_start3A_457 : memref<!tpu.dma_semaphore, #tpu.memory_space<semaphore_mem>>)
      } else {
      }
      %add3A_295 = arith.constant 1 : i32
      %add3A_296 = arith.addi %add3A_239, %add3A_295 : i32
      %lt3A_297 = arith.constant 80 : i32
      %lt3A_298 = arith.cmpi slt, %add3A_296, %lt3A_297 : i32
      %convert_element_type3A_299 = arith.extui %lt3A_298 : i1 to i32
      %cond3A_300 = arith.constant 0 : i32
      %cond3A_301 = arith.cmpi ne, %convert_element_type3A_299, %cond3A_300 : i32
      scf.if %cond3A_301 {
        %dma_wait3A_430 = arith.constant 2 : i32
        %dma_wait3A_431 = arith.constant 2 : i32
        %dma_wait3A_432 = arith.constant 0 : i32
        %dma_wait3A_433 = tpu.memref_slice %arg7[%dma_wait3A_430, %dma_wait3A_432] : memref<4x128xi32, #tpu.memory_space<vmem>> -> memref<1x128xi32, #tpu.memory_space<vmem>>
        %dma_wait3A_434 = tpu.memref_squeeze %dma_wait3A_433 : memref<1x128xi32, #tpu.memory_space<vmem>> -> memref<128xi32, #tpu.memory_space<vmem>>
        %dma_wait3A_435 = arith.constant 0 : i32
        %dma_wait3A_436 = tpu.memref_slice %arg3[%dma_wait3A_435] : memref<327680xi32, #tpu.memory_space<hbm>> -> memref<128xi32, #tpu.memory_space<hbm>>
        %dma_wait3A_437 = tpu.memref_slice %arg13[%dma_wait3A_431] : memref<4x!tpu.dma_semaphore, #tpu.memory_space<semaphore_mem>> -> memref<1x!tpu.dma_semaphore, #tpu.memory_space<semaphore_mem>>
        %dma_wait3A_438 = tpu.memref_squeeze %dma_wait3A_437 : memref<1x!tpu.dma_semaphore, #tpu.memory_space<semaphore_mem>> -> memref<!tpu.dma_semaphore, #tpu.memory_space<semaphore_mem>>
        %dma_wait3A_439 = arith.constant 0 : i32
        %dma_wait3A_440 = tpu.memref_slice %arg7[%dma_wait3A_430, %dma_wait3A_439] : memref<4x128xi32, #tpu.memory_space<vmem>> -> memref<1x128xi32, #tpu.memory_space<vmem>>
        %dma_wait3A_441 = tpu.memref_squeeze %dma_wait3A_440 : memref<1x128xi32, #tpu.memory_space<vmem>> -> memref<128xi32, #tpu.memory_space<vmem>>
        %dma_wait3A_442 = arith.constant 0 : i32
        %dma_wait3A_443 = tpu.memref_slice %arg3[%dma_wait3A_442] : memref<327680xi32, #tpu.memory_space<hbm>> -> memref<128xi32, #tpu.memory_space<hbm>>
        tpu.wait_dma2 semaphore(%dma_wait3A_438 : memref<!tpu.dma_semaphore, #tpu.memory_space<semaphore_mem>>) src(%dma_wait3A_443 : memref<128xi32, #tpu.memory_space<hbm>>) dst(%dma_wait3A_441 : memref<128xi32, #tpu.memory_space<vmem>>)
        %dma_wait3A_444 = arith.constant 2 : i32
        %dma_wait3A_445 = arith.constant 2 : i32
        %dma_wait3A_446 = arith.constant 0 : i32
        %dma_wait3A_447 = tpu.memref_slice %arg8[%dma_wait3A_444, %dma_wait3A_446] : memref<4x128xi32, #tpu.memory_space<vmem>> -> memref<1x128xi32, #tpu.memory_space<vmem>>
        %dma_wait3A_448 = tpu.memref_squeeze %dma_wait3A_447 : memref<1x128xi32, #tpu.memory_space<vmem>> -> memref<128xi32, #tpu.memory_space<vmem>>
        %dma_wait3A_449 = arith.constant 0 : i32
        %dma_wait3A_450 = tpu.memref_slice %arg4[%dma_wait3A_449] : memref<327680xi32, #tpu.memory_space<hbm>> -> memref<128xi32, #tpu.memory_space<hbm>>
        %dma_wait3A_451 = tpu.memref_slice %arg14[%dma_wait3A_445] : memref<4x!tpu.dma_semaphore, #tpu.memory_space<semaphore_mem>> -> memref<1x!tpu.dma_semaphore, #tpu.memory_space<semaphore_mem>>
        %dma_wait3A_452 = tpu.memref_squeeze %dma_wait3A_451 : memref<1x!tpu.dma_semaphore, #tpu.memory_space<semaphore_mem>> -> memref<!tpu.dma_semaphore, #tpu.memory_space<semaphore_mem>>
        %dma_wait3A_453 = arith.constant 0 : i32
        %dma_wait3A_454 = tpu.memref_slice %arg8[%dma_wait3A_444, %dma_wait3A_453] : memref<4x128xi32, #tpu.memory_space<vmem>> -> memref<1x128xi32, #tpu.memory_space<vmem>>
        %dma_wait3A_455 = tpu.memref_squeeze %dma_wait3A_454 : memref<1x128xi32, #tpu.memory_space<vmem>> -> memref<128xi32, #tpu.memory_space<vmem>>
        %dma_wait3A_456 = arith.constant 0 : i32
        %dma_wait3A_457 = tpu.memref_slice %arg4[%dma_wait3A_456] : memref<327680xi32, #tpu.memory_space<hbm>> -> memref<128xi32, #tpu.memory_space<hbm>>
        tpu.wait_dma2 semaphore(%dma_wait3A_452 : memref<!tpu.dma_semaphore, #tpu.memory_space<semaphore_mem>>) src(%dma_wait3A_457 : memref<128xi32, #tpu.memory_space<hbm>>) dst(%dma_wait3A_455 : memref<128xi32, #tpu.memory_space<vmem>>)
        %dma_start3A_458 = arith.constant 2 : i32
        %dma_start3A_459 = arith.constant 0 : i32
        %dma_start3A_460 = arith.constant 0 : i32
        %dma_start3A_461 = arith.constant 0 : i32
        %dma_start3A_462 = arith.constant 0 : i32
        %dma_start3A_463 = tpu.memref_slice %arg9[%dma_start3A_459, %dma_start3A_461, %dma_start3A_462] : memref<2x128x144xf32, #tpu.memory_space<vmem>> -> memref<1x128x144xf32, #tpu.memory_space<vmem>>
        %dma_start3A_464 = tpu.memref_squeeze %dma_start3A_463 : memref<1x128x144xf32, #tpu.memory_space<vmem>> -> memref<128x144xf32, #tpu.memory_space<vmem>>
        %dma_start3A_465 = arith.constant 0 : i32
        %dma_start3A_466 = tpu.memref_slice %arg7[%dma_start3A_458, %dma_start3A_465] : memref<4x128xi32, #tpu.memory_space<vmem>> -> memref<1x128xi32, #tpu.memory_space<vmem>>
        %dma_start3A_467 = tpu.memref_squeeze %dma_start3A_466 : memref<1x128xi32, #tpu.memory_space<vmem>> -> memref<128xi32, #tpu.memory_space<vmem>>
        %dma_start3A_468 = arith.constant 0 : i32
        %dma_start3A_469 = arith.constant 0 : i32
        %dma_start3A_470 = tpu.memref_slice %arg2[%dma_start3A_468, %dma_start3A_469] : memref<10000x144xf32, #tpu.memory_space<hbm>> -> memref<10000x144xf32, #tpu.memory_space<hbm>>
        %dma_start3A_471 = tpu.memref_slice %arg11[%dma_start3A_460] : memref<2x!tpu.dma_semaphore, #tpu.memory_space<semaphore_mem>> -> memref<1x!tpu.dma_semaphore, #tpu.memory_space<semaphore_mem>>
        %dma_start3A_472 = tpu.memref_squeeze %dma_start3A_471 : memref<1x!tpu.dma_semaphore, #tpu.memory_space<semaphore_mem>> -> memref<!tpu.dma_semaphore, #tpu.memory_space<semaphore_mem>>
        tpu.enqueue_indirect_dma source(%dma_start3A_470 : memref<10000x144xf32, #tpu.memory_space<hbm>>) target(%dma_start3A_464 : memref<128x144xf32, #tpu.memory_space<vmem>>) offsets(%dma_start3A_467 : memref<128xi32, #tpu.memory_space<vmem>>) semaphore(%dma_start3A_472 : memref<!tpu.dma_semaphore, #tpu.memory_space<semaphore_mem>>)
      } else {
      }
      %add3A_302 = arith.constant 2 : i32
      %add3A_303 = arith.addi %mul3A_185, %add3A_302 : i32
      %dma_wait3A_304 = arith.constant 2 : i32
      %dma_wait3A_305 = arith.constant 0 : i32
      %dma_wait3A_306 = arith.constant 0 : i32
      %dma_wait3A_307 = arith.constant 0 : i32
      %dma_wait3A_308 = arith.constant 0 : i32
      %dma_wait3A_309 = tpu.memref_slice %arg9[%dma_wait3A_305, %dma_wait3A_307, %dma_wait3A_308] : memref<2x128x144xf32, #tpu.memory_space<vmem>> -> memref<1x128x144xf32, #tpu.memory_space<vmem>>
      %dma_wait3A_310 = tpu.memref_squeeze %dma_wait3A_309 : memref<1x128x144xf32, #tpu.memory_space<vmem>> -> memref<128x144xf32, #tpu.memory_space<vmem>>
      %dma_wait3A_311 = arith.constant 0 : i32
      %dma_wait3A_312 = tpu.memref_slice %arg7[%dma_wait3A_304, %dma_wait3A_311] : memref<4x128xi32, #tpu.memory_space<vmem>> -> memref<1x128xi32, #tpu.memory_space<vmem>>
      %dma_wait3A_313 = tpu.memref_squeeze %dma_wait3A_312 : memref<1x128xi32, #tpu.memory_space<vmem>> -> memref<128xi32, #tpu.memory_space<vmem>>
      %dma_wait3A_314 = arith.constant 0 : i32
      %dma_wait3A_315 = arith.constant 0 : i32
      %dma_wait3A_316 = tpu.memref_slice %arg2[%dma_wait3A_314, %dma_wait3A_315] : memref<10000x144xf32, #tpu.memory_space<hbm>> -> memref<10000x144xf32, #tpu.memory_space<hbm>>
      %dma_wait3A_317 = tpu.memref_slice %arg11[%dma_wait3A_306] : memref<2x!tpu.dma_semaphore, #tpu.memory_space<semaphore_mem>> -> memref<1x!tpu.dma_semaphore, #tpu.memory_space<semaphore_mem>>
      %dma_wait3A_318 = tpu.memref_squeeze %dma_wait3A_317 : memref<1x!tpu.dma_semaphore, #tpu.memory_space<semaphore_mem>> -> memref<!tpu.dma_semaphore, #tpu.memory_space<semaphore_mem>>
      tpu.wait_indirect_dma semaphore(%dma_wait3A_318 : memref<!tpu.dma_semaphore, #tpu.memory_space<semaphore_mem>>) src(%dma_wait3A_316 : memref<10000x144xf32, #tpu.memory_space<hbm>>) dst(%dma_wait3A_310 : memref<128x144xf32, #tpu.memory_space<vmem>>)
      %dma_start3A_319 = arith.constant 0 : i32
      %dma_start3A_320 = arith.constant 2 : i32
      %dma_start3A_321 = arith.constant 0 : i32
      %dma_start3A_322 = arith.constant 0 : i32
      %dma_start3A_323 = arith.constant 0 : i32
      %dma_start3A_324 = tpu.memref_slice %arg9[%dma_start3A_319, %dma_start3A_322, %dma_start3A_323] : memref<2x128x144xf32, #tpu.memory_space<vmem>> -> memref<1x128x144xf32, #tpu.memory_space<vmem>>
      %dma_start3A_325 = tpu.memref_squeeze %dma_start3A_324 : memref<1x128x144xf32, #tpu.memory_space<vmem>> -> memref<128x144xf32, #tpu.memory_space<vmem>>
      %dma_start3A_326 = arith.constant 0 : i32
      %dma_start3A_327 = tpu.memref_slice %arg8[%dma_start3A_320, %dma_start3A_326] : memref<4x128xi32, #tpu.memory_space<vmem>> -> memref<1x128xi32, #tpu.memory_space<vmem>>
      %dma_start3A_328 = tpu.memref_squeeze %dma_start3A_327 : memref<1x128xi32, #tpu.memory_space<vmem>> -> memref<128xi32, #tpu.memory_space<vmem>>
      %dma_start3A_329 = arith.constant 0 : i32
      %dma_start3A_330 = arith.constant 0 : i32
      %dma_start3A_331 = tpu.memref_slice %arg10[%dma_start3A_329, %dma_start3A_330] : memref<10112x144xf32, #tpu.memory_space<vmem_shared>> -> memref<10112x144xf32, #tpu.memory_space<vmem_shared>>
      %dma_start3A_332 = tpu.memref_slice %arg12[%dma_start3A_321] : memref<2x!tpu.dma_semaphore, #tpu.memory_space<semaphore_mem>> -> memref<1x!tpu.dma_semaphore, #tpu.memory_space<semaphore_mem>>
      %dma_start3A_333 = tpu.memref_squeeze %dma_start3A_332 : memref<1x!tpu.dma_semaphore, #tpu.memory_space<semaphore_mem>> -> memref<!tpu.dma_semaphore, #tpu.memory_space<semaphore_mem>>
      tpu.enqueue_indirect_dma source(%dma_start3A_325 : memref<128x144xf32, #tpu.memory_space<vmem>>) target(%dma_start3A_331 : memref<10112x144xf32, #tpu.memory_space<vmem_shared>>) offsets(%dma_start3A_328 : memref<128xi32, #tpu.memory_space<vmem>>) semaphore(%dma_start3A_333 : memref<!tpu.dma_semaphore, #tpu.memory_space<semaphore_mem>>) {add = true}
      %dma_wait3A_334 = arith.constant 1 : i32
      %dma_wait3A_335 = arith.constant 1 : i32
      %dma_wait3A_336 = arith.constant 1 : i32
      %dma_wait3A_337 = arith.constant 0 : i32
      %dma_wait3A_338 = arith.constant 0 : i32
      %dma_wait3A_339 = tpu.memref_slice %arg9[%dma_wait3A_334, %dma_wait3A_337, %dma_wait3A_338] : memref<2x128x144xf32, #tpu.memory_space<vmem>> -> memref<1x128x144xf32, #tpu.memory_space<vmem>>
      %dma_wait3A_340 = tpu.memref_squeeze %dma_wait3A_339 : memref<1x128x144xf32, #tpu.memory_space<vmem>> -> memref<128x144xf32, #tpu.memory_space<vmem>>
      %dma_wait3A_341 = arith.constant 0 : i32
      %dma_wait3A_342 = tpu.memref_slice %arg8[%dma_wait3A_335, %dma_wait3A_341] : memref<4x128xi32, #tpu.memory_space<vmem>> -> memref<1x128xi32, #tpu.memory_space<vmem>>
      %dma_wait3A_343 = tpu.memref_squeeze %dma_wait3A_342 : memref<1x128xi32, #tpu.memory_space<vmem>> -> memref<128xi32, #tpu.memory_space<vmem>>
      %dma_wait3A_344 = arith.constant 0 : i32
      %dma_wait3A_345 = arith.constant 0 : i32
      %dma_wait3A_346 = tpu.memref_slice %arg10[%dma_wait3A_344, %dma_wait3A_345] : memref<10112x144xf32, #tpu.memory_space<vmem_shared>> -> memref<10112x144xf32, #tpu.memory_space<vmem_shared>>
      %dma_wait3A_347 = tpu.memref_slice %arg12[%dma_wait3A_336] : memref<2x!tpu.dma_semaphore, #tpu.memory_space<semaphore_mem>> -> memref<1x!tpu.dma_semaphore, #tpu.memory_space<semaphore_mem>>
      %dma_wait3A_348 = tpu.memref_squeeze %dma_wait3A_347 : memref<1x!tpu.dma_semaphore, #tpu.memory_space<semaphore_mem>> -> memref<!tpu.dma_semaphore, #tpu.memory_space<semaphore_mem>>
      tpu.wait_indirect_dma semaphore(%dma_wait3A_348 : memref<!tpu.dma_semaphore, #tpu.memory_space<semaphore_mem>>) src(%dma_wait3A_340 : memref<128x144xf32, #tpu.memory_space<vmem>>) dst(%dma_wait3A_346 : memref<10112x144xf32, #tpu.memory_space<vmem_shared>>)
      %gt3A_349 = arith.constant 0 : i32
      %gt3A_350 = arith.cmpi sgt, %add3A_303, %gt3A_349 : i32
      %add3A_351 = arith.constant 3 : i32
      %add3A_352 = arith.addi %add3A_303, %add3A_351 : i32
      %lt3A_353 = arith.constant 80 : i32
      %lt3A_354 = arith.cmpi slt, %add3A_352, %lt3A_353 : i32
      %and3A_355 = arith.andi %gt3A_350, %lt3A_354 : i1
      %convert_element_type3A_356 = arith.extui %and3A_355 : i1 to i32
      %cond3A_357 = arith.constant 0 : i32
      %cond3A_358 = arith.cmpi ne, %convert_element_type3A_356, %cond3A_357 : i32
      scf.if %cond3A_358 {
        %add3A_430 = arith.constant 3 : i32
        %add3A_431 = arith.addi %add3A_303, %add3A_430 : i32
        %mul3A_432 = arith.constant 128 : i32
        %mul3A_433 = arith.muli %add3A_431, %mul3A_432 : i32
        %add3A_434 = arith.addi %mul3A_4, %mul3A_433 : i32
        %dma_start3A_435 = arith.constant 1 : i32
        %dma_start3A_436 = arith.constant 1 : i32
        %dma_start3A_437 = arith.constant 0 : i32
        %dma_start3A_438 = tpu.memref_slice %arg7[%dma_start3A_435, %dma_start3A_437] : memref<4x128xi32, #tpu.memory_space<vmem>> -> memref<1x128xi32, #tpu.memory_space<vmem>>
        %dma_start3A_439 = tpu.memref_squeeze %dma_start3A_438 : memref<1x128xi32, #tpu.memory_space<vmem>> -> memref<128xi32, #tpu.memory_space<vmem>>
        %dma_start3A_440 = tpu.memref_slice %arg3[%add3A_434] : memref<327680xi32, #tpu.memory_space<hbm>> -> memref<128xi32, #tpu.memory_space<hbm>>
        %dma_start3A_441 = tpu.memref_slice %arg13[%dma_start3A_436] : memref<4x!tpu.dma_semaphore, #tpu.memory_space<semaphore_mem>> -> memref<1x!tpu.dma_semaphore, #tpu.memory_space<semaphore_mem>>
        %dma_start3A_442 = tpu.memref_squeeze %dma_start3A_441 : memref<1x!tpu.dma_semaphore, #tpu.memory_space<semaphore_mem>> -> memref<!tpu.dma_semaphore, #tpu.memory_space<semaphore_mem>>
        %dma_start3A_443 = arith.constant 0 : i32
        %dma_start3A_444 = tpu.memref_slice %arg7[%dma_start3A_435, %dma_start3A_443] : memref<4x128xi32, #tpu.memory_space<vmem>> -> memref<1x128xi32, #tpu.memory_space<vmem>>
        %dma_start3A_445 = tpu.memref_squeeze %dma_start3A_444 : memref<1x128xi32, #tpu.memory_space<vmem>> -> memref<128xi32, #tpu.memory_space<vmem>>
        %dma_start3A_446 = tpu.memref_slice %arg3[%add3A_434] : memref<327680xi32, #tpu.memory_space<hbm>> -> memref<128xi32, #tpu.memory_space<hbm>>
        tpu.enqueue_dma source(%dma_start3A_446 : memref<128xi32, #tpu.memory_space<hbm>>) target(%dma_start3A_445 : memref<128xi32, #tpu.memory_space<vmem>>) target_semaphore(%dma_start3A_442 : memref<!tpu.dma_semaphore, #tpu.memory_space<semaphore_mem>>)
        %mul3A_447 = arith.constant 128 : i32
        %mul3A_448 = arith.muli %add3A_431, %mul3A_447 : i32
        %add3A_449 = arith.addi %mul3A_4, %mul3A_448 : i32
        %dma_start3A_450 = arith.constant 1 : i32
        %dma_start3A_451 = arith.constant 1 : i32
        %dma_start3A_452 = arith.constant 0 : i32
        %dma_start3A_453 = tpu.memref_slice %arg8[%dma_start3A_450, %dma_start3A_452] : memref<4x128xi32, #tpu.memory_space<vmem>> -> memref<1x128xi32, #tpu.memory_space<vmem>>
        %dma_start3A_454 = tpu.memref_squeeze %dma_start3A_453 : memref<1x128xi32, #tpu.memory_space<vmem>> -> memref<128xi32, #tpu.memory_space<vmem>>
        %dma_start3A_455 = tpu.memref_slice %arg4[%add3A_449] : memref<327680xi32, #tpu.memory_space<hbm>> -> memref<128xi32, #tpu.memory_space<hbm>>
        %dma_start3A_456 = tpu.memref_slice %arg14[%dma_start3A_451] : memref<4x!tpu.dma_semaphore, #tpu.memory_space<semaphore_mem>> -> memref<1x!tpu.dma_semaphore, #tpu.memory_space<semaphore_mem>>
        %dma_start3A_457 = tpu.memref_squeeze %dma_start3A_456 : memref<1x!tpu.dma_semaphore, #tpu.memory_space<semaphore_mem>> -> memref<!tpu.dma_semaphore, #tpu.memory_space<semaphore_mem>>
        %dma_start3A_458 = arith.constant 0 : i32
        %dma_start3A_459 = tpu.memref_slice %arg8[%dma_start3A_450, %dma_start3A_458] : memref<4x128xi32, #tpu.memory_space<vmem>> -> memref<1x128xi32, #tpu.memory_space<vmem>>
        %dma_start3A_460 = tpu.memref_squeeze %dma_start3A_459 : memref<1x128xi32, #tpu.memory_space<vmem>> -> memref<128xi32, #tpu.memory_space<vmem>>
        %dma_start3A_461 = tpu.memref_slice %arg4[%add3A_449] : memref<327680xi32, #tpu.memory_space<hbm>> -> memref<128xi32, #tpu.memory_space<hbm>>
        tpu.enqueue_dma source(%dma_start3A_461 : memref<128xi32, #tpu.memory_space<hbm>>) target(%dma_start3A_460 : memref<128xi32, #tpu.memory_space<vmem>>) target_semaphore(%dma_start3A_457 : memref<!tpu.dma_semaphore, #tpu.memory_space<semaphore_mem>>)
      } else {
      }
      %add3A_359 = arith.constant 1 : i32
      %add3A_360 = arith.addi %add3A_303, %add3A_359 : i32
      %lt3A_361 = arith.constant 80 : i32
      %lt3A_362 = arith.cmpi slt, %add3A_360, %lt3A_361 : i32
      %convert_element_type3A_363 = arith.extui %lt3A_362 : i1 to i32
      %cond3A_364 = arith.constant 0 : i32
      %cond3A_365 = arith.cmpi ne, %convert_element_type3A_363, %cond3A_364 : i32
      scf.if %cond3A_365 {
        %dma_wait3A_430 = arith.constant 3 : i32
        %dma_wait3A_431 = arith.constant 3 : i32
        %dma_wait3A_432 = arith.constant 0 : i32
        %dma_wait3A_433 = tpu.memref_slice %arg7[%dma_wait3A_430, %dma_wait3A_432] : memref<4x128xi32, #tpu.memory_space<vmem>> -> memref<1x128xi32, #tpu.memory_space<vmem>>
        %dma_wait3A_434 = tpu.memref_squeeze %dma_wait3A_433 : memref<1x128xi32, #tpu.memory_space<vmem>> -> memref<128xi32, #tpu.memory_space<vmem>>
        %dma_wait3A_435 = arith.constant 0 : i32
        %dma_wait3A_436 = tpu.memref_slice %arg3[%dma_wait3A_435] : memref<327680xi32, #tpu.memory_space<hbm>> -> memref<128xi32, #tpu.memory_space<hbm>>
        %dma_wait3A_437 = tpu.memref_slice %arg13[%dma_wait3A_431] : memref<4x!tpu.dma_semaphore, #tpu.memory_space<semaphore_mem>> -> memref<1x!tpu.dma_semaphore, #tpu.memory_space<semaphore_mem>>
        %dma_wait3A_438 = tpu.memref_squeeze %dma_wait3A_437 : memref<1x!tpu.dma_semaphore, #tpu.memory_space<semaphore_mem>> -> memref<!tpu.dma_semaphore, #tpu.memory_space<semaphore_mem>>
        %dma_wait3A_439 = arith.constant 0 : i32
        %dma_wait3A_440 = tpu.memref_slice %arg7[%dma_wait3A_430, %dma_wait3A_439] : memref<4x128xi32, #tpu.memory_space<vmem>> -> memref<1x128xi32, #tpu.memory_space<vmem>>
        %dma_wait3A_441 = tpu.memref_squeeze %dma_wait3A_440 : memref<1x128xi32, #tpu.memory_space<vmem>> -> memref<128xi32, #tpu.memory_space<vmem>>
        %dma_wait3A_442 = arith.constant 0 : i32
        %dma_wait3A_443 = tpu.memref_slice %arg3[%dma_wait3A_442] : memref<327680xi32, #tpu.memory_space<hbm>> -> memref<128xi32, #tpu.memory_space<hbm>>
        tpu.wait_dma2 semaphore(%dma_wait3A_438 : memref<!tpu.dma_semaphore, #tpu.memory_space<semaphore_mem>>) src(%dma_wait3A_443 : memref<128xi32, #tpu.memory_space<hbm>>) dst(%dma_wait3A_441 : memref<128xi32, #tpu.memory_space<vmem>>)
        %dma_wait3A_444 = arith.constant 3 : i32
        %dma_wait3A_445 = arith.constant 3 : i32
        %dma_wait3A_446 = arith.constant 0 : i32
        %dma_wait3A_447 = tpu.memref_slice %arg8[%dma_wait3A_444, %dma_wait3A_446] : memref<4x128xi32, #tpu.memory_space<vmem>> -> memref<1x128xi32, #tpu.memory_space<vmem>>
        %dma_wait3A_448 = tpu.memref_squeeze %dma_wait3A_447 : memref<1x128xi32, #tpu.memory_space<vmem>> -> memref<128xi32, #tpu.memory_space<vmem>>
        %dma_wait3A_449 = arith.constant 0 : i32
        %dma_wait3A_450 = tpu.memref_slice %arg4[%dma_wait3A_449] : memref<327680xi32, #tpu.memory_space<hbm>> -> memref<128xi32, #tpu.memory_space<hbm>>
        %dma_wait3A_451 = tpu.memref_slice %arg14[%dma_wait3A_445] : memref<4x!tpu.dma_semaphore, #tpu.memory_space<semaphore_mem>> -> memref<1x!tpu.dma_semaphore, #tpu.memory_space<semaphore_mem>>
        %dma_wait3A_452 = tpu.memref_squeeze %dma_wait3A_451 : memref<1x!tpu.dma_semaphore, #tpu.memory_space<semaphore_mem>> -> memref<!tpu.dma_semaphore, #tpu.memory_space<semaphore_mem>>
        %dma_wait3A_453 = arith.constant 0 : i32
        %dma_wait3A_454 = tpu.memref_slice %arg8[%dma_wait3A_444, %dma_wait3A_453] : memref<4x128xi32, #tpu.memory_space<vmem>> -> memref<1x128xi32, #tpu.memory_space<vmem>>
        %dma_wait3A_455 = tpu.memref_squeeze %dma_wait3A_454 : memref<1x128xi32, #tpu.memory_space<vmem>> -> memref<128xi32, #tpu.memory_space<vmem>>
        %dma_wait3A_456 = arith.constant 0 : i32
        %dma_wait3A_457 = tpu.memref_slice %arg4[%dma_wait3A_456] : memref<327680xi32, #tpu.memory_space<hbm>> -> memref<128xi32, #tpu.memory_space<hbm>>
        tpu.wait_dma2 semaphore(%dma_wait3A_452 : memref<!tpu.dma_semaphore, #tpu.memory_space<semaphore_mem>>) src(%dma_wait3A_457 : memref<128xi32, #tpu.memory_space<hbm>>) dst(%dma_wait3A_455 : memref<128xi32, #tpu.memory_space<vmem>>)
        %dma_start3A_458 = arith.constant 3 : i32
        %dma_start3A_459 = arith.constant 1 : i32
        %dma_start3A_460 = arith.constant 1 : i32
        %dma_start3A_461 = arith.constant 0 : i32
        %dma_start3A_462 = arith.constant 0 : i32
        %dma_start3A_463 = tpu.memref_slice %arg9[%dma_start3A_459, %dma_start3A_461, %dma_start3A_462] : memref<2x128x144xf32, #tpu.memory_space<vmem>> -> memref<1x128x144xf32, #tpu.memory_space<vmem>>
        %dma_start3A_464 = tpu.memref_squeeze %dma_start3A_463 : memref<1x128x144xf32, #tpu.memory_space<vmem>> -> memref<128x144xf32, #tpu.memory_space<vmem>>
        %dma_start3A_465 = arith.constant 0 : i32
        %dma_start3A_466 = tpu.memref_slice %arg7[%dma_start3A_458, %dma_start3A_465] : memref<4x128xi32, #tpu.memory_space<vmem>> -> memref<1x128xi32, #tpu.memory_space<vmem>>
        %dma_start3A_467 = tpu.memref_squeeze %dma_start3A_466 : memref<1x128xi32, #tpu.memory_space<vmem>> -> memref<128xi32, #tpu.memory_space<vmem>>
        %dma_start3A_468 = arith.constant 0 : i32
        %dma_start3A_469 = arith.constant 0 : i32
        %dma_start3A_470 = tpu.memref_slice %arg2[%dma_start3A_468, %dma_start3A_469] : memref<10000x144xf32, #tpu.memory_space<hbm>> -> memref<10000x144xf32, #tpu.memory_space<hbm>>
        %dma_start3A_471 = tpu.memref_slice %arg11[%dma_start3A_460] : memref<2x!tpu.dma_semaphore, #tpu.memory_space<semaphore_mem>> -> memref<1x!tpu.dma_semaphore, #tpu.memory_space<semaphore_mem>>
        %dma_start3A_472 = tpu.memref_squeeze %dma_start3A_471 : memref<1x!tpu.dma_semaphore, #tpu.memory_space<semaphore_mem>> -> memref<!tpu.dma_semaphore, #tpu.memory_space<semaphore_mem>>
        tpu.enqueue_indirect_dma source(%dma_start3A_470 : memref<10000x144xf32, #tpu.memory_space<hbm>>) target(%dma_start3A_464 : memref<128x144xf32, #tpu.memory_space<vmem>>) offsets(%dma_start3A_467 : memref<128xi32, #tpu.memory_space<vmem>>) semaphore(%dma_start3A_472 : memref<!tpu.dma_semaphore, #tpu.memory_space<semaphore_mem>>)
      } else {
      }
      %add3A_366 = arith.constant 3 : i32
      %add3A_367 = arith.addi %mul3A_185, %add3A_366 : i32
      %dma_wait3A_368 = arith.constant 3 : i32
      %dma_wait3A_369 = arith.constant 1 : i32
      %dma_wait3A_370 = arith.constant 1 : i32
      %dma_wait3A_371 = arith.constant 0 : i32
      %dma_wait3A_372 = arith.constant 0 : i32
      %dma_wait3A_373 = tpu.memref_slice %arg9[%dma_wait3A_369, %dma_wait3A_371, %dma_wait3A_372] : memref<2x128x144xf32, #tpu.memory_space<vmem>> -> memref<1x128x144xf32, #tpu.memory_space<vmem>>
      %dma_wait3A_374 = tpu.memref_squeeze %dma_wait3A_373 : memref<1x128x144xf32, #tpu.memory_space<vmem>> -> memref<128x144xf32, #tpu.memory_space<vmem>>
      %dma_wait3A_375 = arith.constant 0 : i32
      %dma_wait3A_376 = tpu.memref_slice %arg7[%dma_wait3A_368, %dma_wait3A_375] : memref<4x128xi32, #tpu.memory_space<vmem>> -> memref<1x128xi32, #tpu.memory_space<vmem>>
      %dma_wait3A_377 = tpu.memref_squeeze %dma_wait3A_376 : memref<1x128xi32, #tpu.memory_space<vmem>> -> memref<128xi32, #tpu.memory_space<vmem>>
      %dma_wait3A_378 = arith.constant 0 : i32
      %dma_wait3A_379 = arith.constant 0 : i32
      %dma_wait3A_380 = tpu.memref_slice %arg2[%dma_wait3A_378, %dma_wait3A_379] : memref<10000x144xf32, #tpu.memory_space<hbm>> -> memref<10000x144xf32, #tpu.memory_space<hbm>>
      %dma_wait3A_381 = tpu.memref_slice %arg11[%dma_wait3A_370] : memref<2x!tpu.dma_semaphore, #tpu.memory_space<semaphore_mem>> -> memref<1x!tpu.dma_semaphore, #tpu.memory_space<semaphore_mem>>
      %dma_wait3A_382 = tpu.memref_squeeze %dma_wait3A_381 : memref<1x!tpu.dma_semaphore, #tpu.memory_space<semaphore_mem>> -> memref<!tpu.dma_semaphore, #tpu.memory_space<semaphore_mem>>
      tpu.wait_indirect_dma semaphore(%dma_wait3A_382 : memref<!tpu.dma_semaphore, #tpu.memory_space<semaphore_mem>>) src(%dma_wait3A_380 : memref<10000x144xf32, #tpu.memory_space<hbm>>) dst(%dma_wait3A_374 : memref<128x144xf32, #tpu.memory_space<vmem>>)
      %dma_start3A_383 = arith.constant 1 : i32
      %dma_start3A_384 = arith.constant 3 : i32
      %dma_start3A_385 = arith.constant 1 : i32
      %dma_start3A_386 = arith.constant 0 : i32
      %dma_start3A_387 = arith.constant 0 : i32
      %dma_start3A_388 = tpu.memref_slice %arg9[%dma_start3A_383, %dma_start3A_386, %dma_start3A_387] : memref<2x128x144xf32, #tpu.memory_space<vmem>> -> memref<1x128x144xf32, #tpu.memory_space<vmem>>
      %dma_start3A_389 = tpu.memref_squeeze %dma_start3A_388 : memref<1x128x144xf32, #tpu.memory_space<vmem>> -> memref<128x144xf32, #tpu.memory_space<vmem>>
      %dma_start3A_390 = arith.constant 0 : i32
      %dma_start3A_391 = tpu.memref_slice %arg8[%dma_start3A_384, %dma_start3A_390] : memref<4x128xi32, #tpu.memory_space<vmem>> -> memref<1x128xi32, #tpu.memory_space<vmem>>
      %dma_start3A_392 = tpu.memref_squeeze %dma_start3A_391 : memref<1x128xi32, #tpu.memory_space<vmem>> -> memref<128xi32, #tpu.memory_space<vmem>>
      %dma_start3A_393 = arith.constant 0 : i32
      %dma_start3A_394 = arith.constant 0 : i32
      %dma_start3A_395 = tpu.memref_slice %arg10[%dma_start3A_393, %dma_start3A_394] : memref<10112x144xf32, #tpu.memory_space<vmem_shared>> -> memref<10112x144xf32, #tpu.memory_space<vmem_shared>>
      %dma_start3A_396 = tpu.memref_slice %arg12[%dma_start3A_385] : memref<2x!tpu.dma_semaphore, #tpu.memory_space<semaphore_mem>> -> memref<1x!tpu.dma_semaphore, #tpu.memory_space<semaphore_mem>>
      %dma_start3A_397 = tpu.memref_squeeze %dma_start3A_396 : memref<1x!tpu.dma_semaphore, #tpu.memory_space<semaphore_mem>> -> memref<!tpu.dma_semaphore, #tpu.memory_space<semaphore_mem>>
      tpu.enqueue_indirect_dma source(%dma_start3A_389 : memref<128x144xf32, #tpu.memory_space<vmem>>) target(%dma_start3A_395 : memref<10112x144xf32, #tpu.memory_space<vmem_shared>>) offsets(%dma_start3A_392 : memref<128xi32, #tpu.memory_space<vmem>>) semaphore(%dma_start3A_397 : memref<!tpu.dma_semaphore, #tpu.memory_space<semaphore_mem>>) {add = true}
      %dma_wait3A_398 = arith.constant 0 : i32
      %dma_wait3A_399 = arith.constant 2 : i32
      %dma_wait3A_400 = arith.constant 0 : i32
      %dma_wait3A_401 = arith.constant 0 : i32
      %dma_wait3A_402 = arith.constant 0 : i32
      %dma_wait3A_403 = tpu.memref_slice %arg9[%dma_wait3A_398, %dma_wait3A_401, %dma_wait3A_402] : memref<2x128x144xf32, #tpu.memory_space<vmem>> -> memref<1x128x144xf32, #tpu.memory_space<vmem>>
      %dma_wait3A_404 = tpu.memref_squeeze %dma_wait3A_403 : memref<1x128x144xf32, #tpu.memory_space<vmem>> -> memref<128x144xf32, #tpu.memory_space<vmem>>
      %dma_wait3A_405 = arith.constant 0 : i32
      %dma_wait3A_406 = tpu.memref_slice %arg8[%dma_wait3A_399, %dma_wait3A_405] : memref<4x128xi32, #tpu.memory_space<vmem>> -> memref<1x128xi32, #tpu.memory_space<vmem>>
      %dma_wait3A_407 = tpu.memref_squeeze %dma_wait3A_406 : memref<1x128xi32, #tpu.memory_space<vmem>> -> memref<128xi32, #tpu.memory_space<vmem>>
      %dma_wait3A_408 = arith.constant 0 : i32
      %dma_wait3A_409 = arith.constant 0 : i32
      %dma_wait3A_410 = tpu.memref_slice %arg10[%dma_wait3A_408, %dma_wait3A_409] : memref<10112x144xf32, #tpu.memory_space<vmem_shared>> -> memref<10112x144xf32, #tpu.memory_space<vmem_shared>>
      %dma_wait3A_411 = tpu.memref_slice %arg12[%dma_wait3A_400] : memref<2x!tpu.dma_semaphore, #tpu.memory_space<semaphore_mem>> -> memref<1x!tpu.dma_semaphore, #tpu.memory_space<semaphore_mem>>
      %dma_wait3A_412 = tpu.memref_squeeze %dma_wait3A_411 : memref<1x!tpu.dma_semaphore, #tpu.memory_space<semaphore_mem>> -> memref<!tpu.dma_semaphore, #tpu.memory_space<semaphore_mem>>
      tpu.wait_indirect_dma semaphore(%dma_wait3A_412 : memref<!tpu.dma_semaphore, #tpu.memory_space<semaphore_mem>>) src(%dma_wait3A_404 : memref<128x144xf32, #tpu.memory_space<vmem>>) dst(%dma_wait3A_410 : memref<10112x144xf32, #tpu.memory_space<vmem_shared>>)
      %gt3A_413 = arith.constant 0 : i32
      %gt3A_414 = arith.cmpi sgt, %add3A_367, %gt3A_413 : i32
      %add3A_415 = arith.constant 3 : i32
      %add3A_416 = arith.addi %add3A_367, %add3A_415 : i32
      %lt3A_417 = arith.constant 80 : i32
      %lt3A_418 = arith.cmpi slt, %add3A_416, %lt3A_417 : i32
      %and3A_419 = arith.andi %gt3A_414, %lt3A_418 : i1
      %convert_element_type3A_420 = arith.extui %and3A_419 : i1 to i32
      %cond3A_421 = arith.constant 0 : i32
      %cond3A_422 = arith.cmpi ne, %convert_element_type3A_420, %cond3A_421 : i32
      scf.if %cond3A_422 {
        %add3A_430 = arith.constant 3 : i32
        %add3A_431 = arith.addi %add3A_367, %add3A_430 : i32
        %mul3A_432 = arith.constant 128 : i32
        %mul3A_433 = arith.muli %add3A_431, %mul3A_432 : i32
        %add3A_434 = arith.addi %mul3A_4, %mul3A_433 : i32
        %dma_start3A_435 = arith.constant 2 : i32
        %dma_start3A_436 = arith.constant 2 : i32
        %dma_start3A_437 = arith.constant 0 : i32
        %dma_start3A_438 = tpu.memref_slice %arg7[%dma_start3A_435, %dma_start3A_437] : memref<4x128xi32, #tpu.memory_space<vmem>> -> memref<1x128xi32, #tpu.memory_space<vmem>>
        %dma_start3A_439 = tpu.memref_squeeze %dma_start3A_438 : memref<1x128xi32, #tpu.memory_space<vmem>> -> memref<128xi32, #tpu.memory_space<vmem>>
        %dma_start3A_440 = tpu.memref_slice %arg3[%add3A_434] : memref<327680xi32, #tpu.memory_space<hbm>> -> memref<128xi32, #tpu.memory_space<hbm>>
        %dma_start3A_441 = tpu.memref_slice %arg13[%dma_start3A_436] : memref<4x!tpu.dma_semaphore, #tpu.memory_space<semaphore_mem>> -> memref<1x!tpu.dma_semaphore, #tpu.memory_space<semaphore_mem>>
        %dma_start3A_442 = tpu.memref_squeeze %dma_start3A_441 : memref<1x!tpu.dma_semaphore, #tpu.memory_space<semaphore_mem>> -> memref<!tpu.dma_semaphore, #tpu.memory_space<semaphore_mem>>
        %dma_start3A_443 = arith.constant 0 : i32
        %dma_start3A_444 = tpu.memref_slice %arg7[%dma_start3A_435, %dma_start3A_443] : memref<4x128xi32, #tpu.memory_space<vmem>> -> memref<1x128xi32, #tpu.memory_space<vmem>>
        %dma_start3A_445 = tpu.memref_squeeze %dma_start3A_444 : memref<1x128xi32, #tpu.memory_space<vmem>> -> memref<128xi32, #tpu.memory_space<vmem>>
        %dma_start3A_446 = tpu.memref_slice %arg3[%add3A_434] : memref<327680xi32, #tpu.memory_space<hbm>> -> memref<128xi32, #tpu.memory_space<hbm>>
        tpu.enqueue_dma source(%dma_start3A_446 : memref<128xi32, #tpu.memory_space<hbm>>) target(%dma_start3A_445 : memref<128xi32, #tpu.memory_space<vmem>>) target_semaphore(%dma_start3A_442 : memref<!tpu.dma_semaphore, #tpu.memory_space<semaphore_mem>>)
        %mul3A_447 = arith.constant 128 : i32
        %mul3A_448 = arith.muli %add3A_431, %mul3A_447 : i32
        %add3A_449 = arith.addi %mul3A_4, %mul3A_448 : i32
        %dma_start3A_450 = arith.constant 2 : i32
        %dma_start3A_451 = arith.constant 2 : i32
        %dma_start3A_452 = arith.constant 0 : i32
        %dma_start3A_453 = tpu.memref_slice %arg8[%dma_start3A_450, %dma_start3A_452] : memref<4x128xi32, #tpu.memory_space<vmem>> -> memref<1x128xi32, #tpu.memory_space<vmem>>
        %dma_start3A_454 = tpu.memref_squeeze %dma_start3A_453 : memref<1x128xi32, #tpu.memory_space<vmem>> -> memref<128xi32, #tpu.memory_space<vmem>>
        %dma_start3A_455 = tpu.memref_slice %arg4[%add3A_449] : memref<327680xi32, #tpu.memory_space<hbm>> -> memref<128xi32, #tpu.memory_space<hbm>>
        %dma_start3A_456 = tpu.memref_slice %arg14[%dma_start3A_451] : memref<4x!tpu.dma_semaphore, #tpu.memory_space<semaphore_mem>> -> memref<1x!tpu.dma_semaphore, #tpu.memory_space<semaphore_mem>>
        %dma_start3A_457 = tpu.memref_squeeze %dma_start3A_456 : memref<1x!tpu.dma_semaphore, #tpu.memory_space<semaphore_mem>> -> memref<!tpu.dma_semaphore, #tpu.memory_space<semaphore_mem>>
        %dma_start3A_458 = arith.constant 0 : i32
        %dma_start3A_459 = tpu.memref_slice %arg8[%dma_start3A_450, %dma_start3A_458] : memref<4x128xi32, #tpu.memory_space<vmem>> -> memref<1x128xi32, #tpu.memory_space<vmem>>
        %dma_start3A_460 = tpu.memref_squeeze %dma_start3A_459 : memref<1x128xi32, #tpu.memory_space<vmem>> -> memref<128xi32, #tpu.memory_space<vmem>>
        %dma_start3A_461 = tpu.memref_slice %arg4[%add3A_449] : memref<327680xi32, #tpu.memory_space<hbm>> -> memref<128xi32, #tpu.memory_space<hbm>>
        tpu.enqueue_dma source(%dma_start3A_461 : memref<128xi32, #tpu.memory_space<hbm>>) target(%dma_start3A_460 : memref<128xi32, #tpu.memory_space<vmem>>) target_semaphore(%dma_start3A_457 : memref<!tpu.dma_semaphore, #tpu.memory_space<semaphore_mem>>)
      } else {
      }
      %add3A_423 = arith.constant 1 : i32
      %add3A_424 = arith.addi %add3A_367, %add3A_423 : i32
      %lt3A_425 = arith.constant 80 : i32
      %lt3A_426 = arith.cmpi slt, %add3A_424, %lt3A_425 : i32
      %convert_element_type3A_427 = arith.extui %lt3A_426 : i1 to i32
      %cond3A_428 = arith.constant 0 : i32
      %cond3A_429 = arith.cmpi ne, %convert_element_type3A_427, %cond3A_428 : i32
      scf.if %cond3A_429 {
        %dma_wait3A_430 = arith.constant 0 : i32
        %dma_wait3A_431 = arith.constant 0 : i32
        %dma_wait3A_432 = arith.constant 0 : i32
        %dma_wait3A_433 = tpu.memref_slice %arg7[%dma_wait3A_430, %dma_wait3A_432] : memref<4x128xi32, #tpu.memory_space<vmem>> -> memref<1x128xi32, #tpu.memory_space<vmem>>
        %dma_wait3A_434 = tpu.memref_squeeze %dma_wait3A_433 : memref<1x128xi32, #tpu.memory_space<vmem>> -> memref<128xi32, #tpu.memory_space<vmem>>
        %dma_wait3A_435 = arith.constant 0 : i32
        %dma_wait3A_436 = tpu.memref_slice %arg3[%dma_wait3A_435] : memref<327680xi32, #tpu.memory_space<hbm>> -> memref<128xi32, #tpu.memory_space<hbm>>
        %dma_wait3A_437 = tpu.memref_slice %arg13[%dma_wait3A_431] : memref<4x!tpu.dma_semaphore, #tpu.memory_space<semaphore_mem>> -> memref<1x!tpu.dma_semaphore, #tpu.memory_space<semaphore_mem>>
        %dma_wait3A_438 = tpu.memref_squeeze %dma_wait3A_437 : memref<1x!tpu.dma_semaphore, #tpu.memory_space<semaphore_mem>> -> memref<!tpu.dma_semaphore, #tpu.memory_space<semaphore_mem>>
        %dma_wait3A_439 = arith.constant 0 : i32
        %dma_wait3A_440 = tpu.memref_slice %arg7[%dma_wait3A_430, %dma_wait3A_439] : memref<4x128xi32, #tpu.memory_space<vmem>> -> memref<1x128xi32, #tpu.memory_space<vmem>>
        %dma_wait3A_441 = tpu.memref_squeeze %dma_wait3A_440 : memref<1x128xi32, #tpu.memory_space<vmem>> -> memref<128xi32, #tpu.memory_space<vmem>>
        %dma_wait3A_442 = arith.constant 0 : i32
        %dma_wait3A_443 = tpu.memref_slice %arg3[%dma_wait3A_442] : memref<327680xi32, #tpu.memory_space<hbm>> -> memref<128xi32, #tpu.memory_space<hbm>>
        tpu.wait_dma2 semaphore(%dma_wait3A_438 : memref<!tpu.dma_semaphore, #tpu.memory_space<semaphore_mem>>) src(%dma_wait3A_443 : memref<128xi32, #tpu.memory_space<hbm>>) dst(%dma_wait3A_441 : memref<128xi32, #tpu.memory_space<vmem>>)
        %dma_wait3A_444 = arith.constant 0 : i32
        %dma_wait3A_445 = arith.constant 0 : i32
        %dma_wait3A_446 = arith.constant 0 : i32
        %dma_wait3A_447 = tpu.memref_slice %arg8[%dma_wait3A_444, %dma_wait3A_446] : memref<4x128xi32, #tpu.memory_space<vmem>> -> memref<1x128xi32, #tpu.memory_space<vmem>>
        %dma_wait3A_448 = tpu.memref_squeeze %dma_wait3A_447 : memref<1x128xi32, #tpu.memory_space<vmem>> -> memref<128xi32, #tpu.memory_space<vmem>>
        %dma_wait3A_449 = arith.constant 0 : i32
        %dma_wait3A_450 = tpu.memref_slice %arg4[%dma_wait3A_449] : memref<327680xi32, #tpu.memory_space<hbm>> -> memref<128xi32, #tpu.memory_space<hbm>>
        %dma_wait3A_451 = tpu.memref_slice %arg14[%dma_wait3A_445] : memref<4x!tpu.dma_semaphore, #tpu.memory_space<semaphore_mem>> -> memref<1x!tpu.dma_semaphore, #tpu.memory_space<semaphore_mem>>
        %dma_wait3A_452 = tpu.memref_squeeze %dma_wait3A_451 : memref<1x!tpu.dma_semaphore, #tpu.memory_space<semaphore_mem>> -> memref<!tpu.dma_semaphore, #tpu.memory_space<semaphore_mem>>
        %dma_wait3A_453 = arith.constant 0 : i32
        %dma_wait3A_454 = tpu.memref_slice %arg8[%dma_wait3A_444, %dma_wait3A_453] : memref<4x128xi32, #tpu.memory_space<vmem>> -> memref<1x128xi32, #tpu.memory_space<vmem>>
        %dma_wait3A_455 = tpu.memref_squeeze %dma_wait3A_454 : memref<1x128xi32, #tpu.memory_space<vmem>> -> memref<128xi32, #tpu.memory_space<vmem>>
        %dma_wait3A_456 = arith.constant 0 : i32
        %dma_wait3A_457 = tpu.memref_slice %arg4[%dma_wait3A_456] : memref<327680xi32, #tpu.memory_space<hbm>> -> memref<128xi32, #tpu.memory_space<hbm>>
        tpu.wait_dma2 semaphore(%dma_wait3A_452 : memref<!tpu.dma_semaphore, #tpu.memory_space<semaphore_mem>>) src(%dma_wait3A_457 : memref<128xi32, #tpu.memory_space<hbm>>) dst(%dma_wait3A_455 : memref<128xi32, #tpu.memory_space<vmem>>)
        %dma_start3A_458 = arith.constant 0 : i32
        %dma_start3A_459 = arith.constant 0 : i32
        %dma_start3A_460 = arith.constant 0 : i32
        %dma_start3A_461 = arith.constant 0 : i32
        %dma_start3A_462 = arith.constant 0 : i32
        %dma_start3A_463 = tpu.memref_slice %arg9[%dma_start3A_459, %dma_start3A_461, %dma_start3A_462] : memref<2x128x144xf32, #tpu.memory_space<vmem>> -> memref<1x128x144xf32, #tpu.memory_space<vmem>>
        %dma_start3A_464 = tpu.memref_squeeze %dma_start3A_463 : memref<1x128x144xf32, #tpu.memory_space<vmem>> -> memref<128x144xf32, #tpu.memory_space<vmem>>
        %dma_start3A_465 = arith.constant 0 : i32
        %dma_start3A_466 = tpu.memref_slice %arg7[%dma_start3A_458, %dma_start3A_465] : memref<4x128xi32, #tpu.memory_space<vmem>> -> memref<1x128xi32, #tpu.memory_space<vmem>>
        %dma_start3A_467 = tpu.memref_squeeze %dma_start3A_466 : memref<1x128xi32, #tpu.memory_space<vmem>> -> memref<128xi32, #tpu.memory_space<vmem>>
        %dma_start3A_468 = arith.constant 0 : i32
        %dma_start3A_469 = arith.constant 0 : i32
        %dma_start3A_470 = tpu.memref_slice %arg2[%dma_start3A_468, %dma_start3A_469] : memref<10000x144xf32, #tpu.memory_space<hbm>> -> memref<10000x144xf32, #tpu.memory_space<hbm>>
        %dma_start3A_471 = tpu.memref_slice %arg11[%dma_start3A_460] : memref<2x!tpu.dma_semaphore, #tpu.memory_space<semaphore_mem>> -> memref<1x!tpu.dma_semaphore, #tpu.memory_space<semaphore_mem>>
        %dma_start3A_472 = tpu.memref_squeeze %dma_start3A_471 : memref<1x!tpu.dma_semaphore, #tpu.memory_space<semaphore_mem>> -> memref<!tpu.dma_semaphore, #tpu.memory_space<semaphore_mem>>
        tpu.enqueue_indirect_dma source(%dma_start3A_470 : memref<10000x144xf32, #tpu.memory_space<hbm>>) target(%dma_start3A_464 : memref<128x144xf32, #tpu.memory_space<vmem>>) offsets(%dma_start3A_467 : memref<128xi32, #tpu.memory_space<vmem>>) semaphore(%dma_start3A_472 : memref<!tpu.dma_semaphore, #tpu.memory_space<semaphore_mem>>)
      } else {
      }
    }
    %scan3A_164 = arith.constant 20 : i32
    %dma_wait3A_165 = arith.constant 1 : i32
    %dma_wait3A_166 = arith.constant 3 : i32
    %dma_wait3A_167 = arith.constant 1 : i32
    %dma_wait3A_168 = arith.constant 0 : i32
    %dma_wait3A_169 = arith.constant 0 : i32
    %dma_wait3A_170 = tpu.memref_slice %arg9[%dma_wait3A_165, %dma_wait3A_168, %dma_wait3A_169] : memref<2x128x144xf32, #tpu.memory_space<vmem>> -> memref<1x128x144xf32, #tpu.memory_space<vmem>>
    %dma_wait3A_171 = tpu.memref_squeeze %dma_wait3A_170 : memref<1x128x144xf32, #tpu.memory_space<vmem>> -> memref<128x144xf32, #tpu.memory_space<vmem>>
    %dma_wait3A_172 = arith.constant 0 : i32
    %dma_wait3A_173 = tpu.memref_slice %arg8[%dma_wait3A_166, %dma_wait3A_172] : memref<4x128xi32, #tpu.memory_space<vmem>> -> memref<1x128xi32, #tpu.memory_space<vmem>>
    %dma_wait3A_174 = tpu.memref_squeeze %dma_wait3A_173 : memref<1x128xi32, #tpu.memory_space<vmem>> -> memref<128xi32, #tpu.memory_space<vmem>>
    %dma_wait3A_175 = arith.constant 0 : i32
    %dma_wait3A_176 = arith.constant 0 : i32
    %dma_wait3A_177 = tpu.memref_slice %arg10[%dma_wait3A_175, %dma_wait3A_176] : memref<10112x144xf32, #tpu.memory_space<vmem_shared>> -> memref<10112x144xf32, #tpu.memory_space<vmem_shared>>
    %dma_wait3A_178 = tpu.memref_slice %arg12[%dma_wait3A_167] : memref<2x!tpu.dma_semaphore, #tpu.memory_space<semaphore_mem>> -> memref<1x!tpu.dma_semaphore, #tpu.memory_space<semaphore_mem>>
    %dma_wait3A_179 = tpu.memref_squeeze %dma_wait3A_178 : memref<1x!tpu.dma_semaphore, #tpu.memory_space<semaphore_mem>> -> memref<!tpu.dma_semaphore, #tpu.memory_space<semaphore_mem>>
    tpu.wait_indirect_dma semaphore(%dma_wait3A_179 : memref<!tpu.dma_semaphore, #tpu.memory_space<semaphore_mem>>) src(%dma_wait3A_171 : memref<128x144xf32, #tpu.memory_space<vmem>>) dst(%dma_wait3A_177 : memref<10112x144xf32, #tpu.memory_space<vmem_shared>>)
    %barrier3A_180 = arith.constant 0 : index
    tpu.barrier barrier_id(%barrier3A_180)
    %lt3A = arith.constant 10 : i32
    %lt3A_181 = arith.cmpi slt, %arg1, %lt3A : i32
    %convert_element_type3A = arith.extui %lt3A_181 : i1 to i32
    %cond3A = arith.constant 0 : i32
    %cond3A_182 = arith.cmpi ne, %convert_element_type3A, %cond3A : i32
    scf.if %cond3A_182 {
      %mul3A_183 = arith.constant 1000 : i32
      %mul3A_184 = arith.muli %arg1, %mul3A_183 : i32
      %mul3A_185 = arith.constant 10000 : i32
      %mul3A_186 = arith.muli %arg0, %mul3A_185 : i32
      %mul3A_187 = arith.constant 1000 : i32
      %mul3A_188 = arith.muli %arg1, %mul3A_187 : i32
      %add3A_189 = arith.addi %mul3A_186, %mul3A_188 : i32
      "tpu.region"() ({
        %run_scoped3A = tpu.sem_alloc : memref<!tpu.dma_semaphore, #tpu.memory_space<semaphore_mem>>
        %dma_start3A_190 = arith.constant 0 : i32
        %dma_start3A_191 = tpu.memref_slice %arg6[%add3A_189, %dma_start3A_190] : memref<20000x144xf32, #tpu.memory_space<hbm>> -> memref<1000x144xf32, #tpu.memory_space<hbm>>
        %dma_start3A_192 = arith.constant 0 : i32
        %dma_start3A_193 = tpu.memref_slice %arg10[%mul3A_184, %dma_start3A_192] : memref<10112x144xf32, #tpu.memory_space<vmem_shared>> -> memref<1000x144xf32, #tpu.memory_space<vmem_shared>>
        tpu.enqueue_dma source(%dma_start3A_193 : memref<1000x144xf32, #tpu.memory_space<vmem_shared>>) target(%dma_start3A_191 : memref<1000x144xf32, #tpu.memory_space<hbm>>) target_semaphore(%run_scoped3A : memref<!tpu.dma_semaphore, #tpu.memory_space<semaphore_mem>>)
        %dma_wait3A_194 = arith.constant 0 : i32
        %dma_wait3A_195 = tpu.memref_slice %arg6[%add3A_189, %dma_wait3A_194] : memref<20000x144xf32, #tpu.memory_space<hbm>> -> memref<1000x144xf32, #tpu.memory_space<hbm>>
        %dma_wait3A_196 = arith.constant 0 : i32
        %dma_wait3A_197 = tpu.memref_slice %arg10[%mul3A_184, %dma_wait3A_196] : memref<10112x144xf32, #tpu.memory_space<vmem_shared>> -> memref<1000x144xf32, #tpu.memory_space<vmem_shared>>
        tpu.wait_dma2 semaphore(%run_scoped3A : memref<!tpu.dma_semaphore, #tpu.memory_space<semaphore_mem>>) src(%dma_wait3A_197 : memref<1000x144xf32, #tpu.memory_space<vmem_shared>>) dst(%dma_wait3A_195 : memref<1000x144xf32, #tpu.memory_space<hbm>>)
        tpu.yield
      }) : () -> ()
    } else {
    }
    return
  }
}

module attributes {stable_mosaic.version = 14 : i64} {
  func.func @body(%arg0: i32, %arg1: memref<1000x144xf32, #tpu.memory_space<vmem>>, %arg2: memref<1000x144xf32, #tpu.memory_space<vmem>>, %arg3: memref<1000x144xf32, #tpu.memory_space<vmem>>, %arg4: memref<128x131xf32, #tpu.memory_space<vmem>>, %arg5: memref<128x131xf32, #tpu.memory_space<vmem>>, %arg6: memref<128x256xf32, #tpu.memory_space<vmem>>, %arg7: memref<1x128xf32, #tpu.memory_space<vmem>>, %arg8: memref<1x128xf32, #tpu.memory_space<vmem>>, %arg9: memref<1x128xf32, #tpu.memory_space<vmem>>, %arg10: memref<1000x128xf32, #tpu.memory_space<vmem>>) attributes {dimension_semantics = [#tpu.dimension_semantics<arbitrary>], iteration_bounds = array<i64: 10>, scalar_prefetch = 0 : i64, scratch_operands = 0 : i64, tpu.core_type = #tpu.core_type<tc>, window_params = [{transform_indices = @transform_0, window_bounds = array<i64: 1000, 144>}, {transform_indices = @transform_1, window_bounds = array<i64: 1000, 144>}, {transform_indices = @transform_2, window_bounds = array<i64: 1000, 144>}, {pipeline_mode = #tpu.pipeline_mode<synchronous>, transform_indices = @transform_3, window_bounds = array<i64: 128, 131>}, {pipeline_mode = #tpu.pipeline_mode<synchronous>, transform_indices = @transform_4, window_bounds = array<i64: 128, 131>}, {pipeline_mode = #tpu.pipeline_mode<synchronous>, transform_indices = @transform_5, window_bounds = array<i64: 128, 256>}, {pipeline_mode = #tpu.pipeline_mode<synchronous>, transform_indices = @transform_6, window_bounds = array<i64: 1, 128>}, {pipeline_mode = #tpu.pipeline_mode<synchronous>, transform_indices = @transform_7, window_bounds = array<i64: 1, 128>}, {pipeline_mode = #tpu.pipeline_mode<synchronous>, transform_indices = @transform_8, window_bounds = array<i64: 1, 128>}, {transform_indices = @transform_9, window_bounds = array<i64: 1000, 128>}]} {
    %get3A = arith.constant 0 : index
    %get3A_0 = arith.constant 0 : index
    %get3A_1 = vector.load %arg1[%get3A, %get3A_0] : memref<1000x144xf32, #tpu.memory_space<vmem>>, vector<1000x144xf32>
    %get3A_2 = arith.constant 0 : index
    %get3A_3 = arith.constant 0 : index
    %get3A_4 = vector.load %arg2[%get3A_2, %get3A_3] : memref<1000x144xf32, #tpu.memory_space<vmem>>, vector<1000x144xf32>
    %add3A = arith.addf %get3A_1, %get3A_4 : vector<1000x144xf32>
    %slice3A = vector.extract_strided_slice %add3A {offsets = [0, 131], sizes = [1000, 1], strides = [1, 1]} : vector<1000x144xf32> to vector<1000x1xf32>
    %get3A_5 = arith.constant 0 : index
    %get3A_6 = arith.constant 0 : index
    %get3A_7 = vector.load %arg3[%get3A_5, %get3A_6] : memref<1000x144xf32, #tpu.memory_space<vmem>>, vector<1000x144xf32>
    %slice3A_8 = vector.extract_strided_slice %get3A_7 {offsets = [0, 0], sizes = [1000, 128], strides = [1, 1]} : vector<1000x144xf32> to vector<1000x128xf32>
    %get3A_9 = arith.constant 0 : index
    %get3A_10 = arith.constant 0 : index
    %get3A_11 = vector.load %arg4[%get3A_9, %get3A_10] : memref<128x131xf32, #tpu.memory_space<vmem>>, vector<128x131xf32>
    %get3A_12 = arith.constant 0 : index
    %get3A_13 = arith.constant 0 : index
    %get3A_14 = vector.load %arg6[%get3A_12, %get3A_13] : memref<128x256xf32, #tpu.memory_space<vmem>>, vector<128x256xf32>
    %slice3A_15 = vector.extract_strided_slice %add3A {offsets = [0, 0], sizes = [1000, 131], strides = [1, 1]} : vector<1000x144xf32> to vector<1000x131xf32>
    %dot_general3A = arith.constant dense<0.000000e+00> : vector<1000x128xf32>
    %dot_general3A_16 = tpu.matmul %slice3A_15, %get3A_11, %dot_general3A {dimension_numbers = #tpu.dot_dimension_numbers<[1], [1], [0], [0], [0, 0, 1, 0], [], []>, transpose_lhs_hint = false} : vector<1000x131xf32>, vector<128x131xf32>, vector<1000x128xf32> -> vector<1000x128xf32>
    %get3A_17 = arith.constant 0 : index
    %get3A_18 = arith.constant 0 : index
    %get3A_19 = vector.load %arg7[%get3A_17, %get3A_18] : memref<1x128xf32, #tpu.memory_space<vmem>>, vector<1x128xf32>
    %mul3A = vector.broadcast %slice3A : vector<1000x1xf32> to vector<1000x128xf32>
    %mul3A_20 = vector.broadcast %get3A_19 : vector<1x128xf32> to vector<1000x128xf32>
    %mul3A_21 = arith.mulf %mul3A, %mul3A_20 : vector<1000x128xf32>
    %add3A_22 = arith.addf %dot_general3A_16, %mul3A_21 : vector<1000x128xf32>
    %slice3A_23 = vector.extract_strided_slice %get3A_7 {offsets = [0, 128], sizes = [1000, 3], strides = [1, 1]} : vector<1000x144xf32> to vector<1000x3xf32>
    %slice3A_24 = vector.extract_strided_slice %get3A_11 {offsets = [0, 128], sizes = [128, 3], strides = [1, 1]} : vector<128x131xf32> to vector<128x3xf32>
    %dot_general3A_25 = arith.constant dense<0.000000e+00> : vector<1000x128xf32>
    %dot_general3A_26 = tpu.matmul %slice3A_23, %slice3A_24, %dot_general3A_25 {dimension_numbers = #tpu.dot_dimension_numbers<[1], [1], [0], [0], [0, 0, 1, 0], [], []>, transpose_lhs_hint = false} : vector<1000x3xf32>, vector<128x3xf32>, vector<1000x128xf32> -> vector<1000x128xf32>
    %mul3A_27 = vector.broadcast %slice3A : vector<1000x1xf32> to vector<1000x128xf32>
    %mul3A_28 = arith.mulf %mul3A_27, %dot_general3A_26 : vector<1000x128xf32>
    %slice3A_29 = vector.extract_strided_slice %get3A_7 {offsets = [0, 0], sizes = [1000, 131], strides = [1, 1]} : vector<1000x144xf32> to vector<1000x131xf32>
    %get3A_30 = arith.constant 0 : index
    %get3A_31 = arith.constant 0 : index
    %get3A_32 = vector.load %arg5[%get3A_30, %get3A_31] : memref<128x131xf32, #tpu.memory_space<vmem>>, vector<128x131xf32>
    %dot_general3A_33 = arith.constant dense<0.000000e+00> : vector<1000x128xf32>
    %dot_general3A_34 = tpu.matmul %slice3A_29, %get3A_32, %dot_general3A_33 {dimension_numbers = #tpu.dot_dimension_numbers<[1], [1], [0], [0], [0, 0, 1, 0], [], []>, transpose_lhs_hint = false} : vector<1000x131xf32>, vector<128x131xf32>, vector<1000x128xf32> -> vector<1000x128xf32>
    %get3A_35 = arith.constant 0 : index
    %get3A_36 = arith.constant 0 : index
    %get3A_37 = vector.load %arg8[%get3A_35, %get3A_36] : memref<1x128xf32, #tpu.memory_space<vmem>>, vector<1x128xf32>
    %add3A_38 = vector.broadcast %get3A_37 : vector<1x128xf32> to vector<1000x128xf32>
    %add3A_39 = arith.addf %dot_general3A_34, %add3A_38 : vector<1000x128xf32>
    %sub3A = arith.subf %add3A_22, %mul3A_28 : vector<1000x128xf32>
    %add3A_40 = arith.addf %sub3A, %add3A_39 : vector<1000x128xf32>
    %slice3A_41 = vector.extract_strided_slice %get3A_14 {offsets = [0, 0], sizes = [128, 128], strides = [1, 1]} : vector<128x256xf32> to vector<128x128xf32>
    %dot_general3A_42 = arith.constant dense<0.000000e+00> : vector<1000x128xf32>
    %dot_general3A_43 = tpu.matmul %add3A_40, %slice3A_41, %dot_general3A_42 {dimension_numbers = #tpu.dot_dimension_numbers<[1], [1], [0], [0], [0, 0, 1, 0], [], []>, transpose_lhs_hint = false} : vector<1000x128xf32>, vector<128x128xf32>, vector<1000x128xf32> -> vector<1000x128xf32>
    %slice3A_44 = vector.extract_strided_slice %get3A_14 {offsets = [0, 128], sizes = [128, 128], strides = [1, 1]} : vector<128x256xf32> to vector<128x128xf32>
    %dot_general3A_45 = arith.constant dense<0.000000e+00> : vector<1000x128xf32>
    %dot_general3A_46 = tpu.matmul %slice3A_8, %slice3A_44, %dot_general3A_45 {dimension_numbers = #tpu.dot_dimension_numbers<[1], [1], [0], [0], [0, 0, 1, 0], [], []>, transpose_lhs_hint = false} : vector<1000x128xf32>, vector<128x128xf32>, vector<1000x128xf32> -> vector<1000x128xf32>
    %add3A_47 = arith.addf %dot_general3A_43, %dot_general3A_46 : vector<1000x128xf32>
    %get3A_48 = arith.constant 0 : index
    %get3A_49 = arith.constant 0 : index
    %get3A_50 = vector.load %arg9[%get3A_48, %get3A_49] : memref<1x128xf32, #tpu.memory_space<vmem>>, vector<1x128xf32>
    %add3A_51 = vector.broadcast %get3A_50 : vector<1x128xf32> to vector<1000x128xf32>
    %add3A_52 = arith.addf %add3A_47, %add3A_51 : vector<1000x128xf32>
    %add3A_53 = arith.addf %slice3A_8, %add3A_52 : vector<1000x128xf32>
    %swap3A = arith.constant 0 : index
    %swap3A_54 = arith.constant 0 : index
    %swap3A_55 = vector.load %arg10[%swap3A, %swap3A_54] : memref<1000x128xf32, #tpu.memory_space<vmem>>, vector<1000x128xf32>
    tpu.vector_store %arg10[%swap3A, %swap3A_54], %add3A_53 {strides = array<i32>} : memref<1000x128xf32, #tpu.memory_space<vmem>>, vector<1000x128xf32>,
    return
  }
  func.func @transform_0(%arg0: i32) -> (i32, i32) {
    %c0_i32 = arith.constant 0 : i32
    %c0_i32_0 = arith.constant 0 : i32
    return %arg0, %c0_i32 : i32, i32
  }
  func.func @transform_1(%arg0: i32) -> (i32, i32) {
    %add3A = arith.constant 10 : i32
    %add3A_0 = arith.addi %arg0, %add3A : i32
    %c0_i32 = arith.constant 0 : i32
    %c0_i32_1 = arith.constant 0 : i32
    return %add3A_0, %c0_i32 : i32, i32
  }
  func.func @transform_2(%arg0: i32) -> (i32, i32) {
    %c0_i32 = arith.constant 0 : i32
    %c0_i32_0 = arith.constant 0 : i32
    return %arg0, %c0_i32 : i32, i32
  }
  func.func @transform_3(%arg0: i32) -> (i32, i32) {
    %c0_i32 = arith.constant 0 : i32
    %c0_i32_0 = arith.constant 0 : i32
    %c0_i32_1 = arith.constant 0 : i32
    return %c0_i32, %c0_i32_0 : i32, i32
  }
  func.func @transform_4(%arg0: i32) -> (i32, i32) {
    %c0_i32 = arith.constant 0 : i32
    %c0_i32_0 = arith.constant 0 : i32
    %c0_i32_1 = arith.constant 0 : i32
    return %c0_i32, %c0_i32_0 : i32, i32
  }
  func.func @transform_5(%arg0: i32) -> (i32, i32) {
    %c0_i32 = arith.constant 0 : i32
    %c0_i32_0 = arith.constant 0 : i32
    %c0_i32_1 = arith.constant 0 : i32
    return %c0_i32, %c0_i32_0 : i32, i32
  }
  func.func @transform_6(%arg0: i32) -> (i32, i32) {
    %c0_i32 = arith.constant 0 : i32
    %c0_i32_0 = arith.constant 0 : i32
    %c0_i32_1 = arith.constant 0 : i32
    return %c0_i32, %c0_i32_0 : i32, i32
  }
  func.func @transform_7(%arg0: i32) -> (i32, i32) {
    %c0_i32 = arith.constant 0 : i32
    %c0_i32_0 = arith.constant 0 : i32
    %c0_i32_1 = arith.constant 0 : i32
    return %c0_i32, %c0_i32_0 : i32, i32
  }
  func.func @transform_8(%arg0: i32) -> (i32, i32) {
    %c0_i32 = arith.constant 0 : i32
    %c0_i32_0 = arith.constant 0 : i32
    %c0_i32_1 = arith.constant 0 : i32
    return %c0_i32, %c0_i32_0 : i32, i32
  }
  func.func @transform_9(%arg0: i32) -> (i32, i32) {
    %c0_i32 = arith.constant 0 : i32
    %c0_i32_0 = arith.constant 0 : i32
    return %arg0, %c0_i32 : i32, i32
  }
}

</mosaic_0001>

<sc_bundles>
// kernel: kernel.4.cloned.1.call-start
scs
__scs_entry_jumppad:
0x0: {  	(pc) =	sbr.rel $0x88, $3  }
0x1: {  	(tag) =	ssettag $0x0;
	lr =	simm.s32 $0x1  }
0x2: {  	[smem:$0x3F98] =	sst lr;
	_ =	strace $0xD0000000  }
0x3: {  	_ = 	snop  }
0x4: {  	_ = 	snop  }
0x5: {  	_ = 	snop  }
0x6: {  	_ = 	snop  }
0x7: {  	_ = 	snop  }
__scs_overlays_trampoline_lowered:
0x8: {  	[smem:$0x3FA7] =	sst s0  }
0x9: {  	[smem:$0x3FA8] =	sst s1  }
0xa: {  	[smem:$0x3FA9] =	sst s2  }
0xb: {  	[smem:$0x3FAA] =	sst s3  }
0xc: {  	[smem:$0x3FAB] =	sst s4  }
0xd: {  	[smem:$0x3FAC] =	sst s5  }
0xe: {  	[smem:$0x3FAD] =	sst s6  }
0xf: {  	[smem:$0x3FAE] =	sst s7  }
0x10: {  	[smem:$0x3FAF] =	sst s8  }
0x11: {  	[smem:$0x3FB0] =	sst s9;
	s0 =	simm.s32 @!p0 $0x0  }
0x12: {  	s1 =	sld [smem:$0x3F96];
	s0 =	simm.s32 @p0 $0x1  }
0x13: {  	[smem:$0x3FB1] =	sst s0;
	s0 =	simm.s32 @!p1 $0x0  }
0x14: {  	s2 =	sld [smem:$0x3F95];
	s0 =	simm.s32 @p1 $0x1  }
0x15: {  	[smem:$0x3FB2] =	sst s0;
	s0 =	simm.s32 @!p2 $0x0  }
0x16: {  	s3 =	sld [smem:$0x3FDB];
	s0 =	simm.s32 @p2 $0x1  }
0x17: {  	s4 =	simm.s32 $0x1BF5;
	[smem:$0x3FB4] =	sst s0  }
0x18: {  	s0 =	sld [smem:$0x3F97];
	_ =	swait.ge [sflag:s4], $0x0  }
0x19: {  	s7 =	sld [smem:$0x3F98]  }
0x1a: {  	s8 =	sadd.s32 $0xFFFFE003, lr  }
0x1b: {  	s9 =	sadd.s32 $0xFFFFFEF7, lr;
	s5 =	simm.s32 $0xFFFFFFFF;
	p2 =	slt.u32 s8, $0xFFFFF086  }
0x1c: {  	p1 =	slt.u32 s9, $0xF7A;
	s5 =	simm.s32 @!p2 $0x0  }
0x1d: {  	s5 =	simm.s32 @p1 $0x1;
	p0 =	seq.s32 s7, s2  }
0x1e: {  	s7 =	smul.u32 @!p0 $0xF7A, s2;
	p2 =	seq.s32 @!p0 s5, $0x0  }
0x1f: {  	s9 =	smul.u32 $0xF7A, s1;
	s8 =	simm.s32 @!p0 $0x1BF5;
	p2 =	por !p2, p0  }
0x20: {  	[sflag:s8] =	ssyncset.s32 @!p0 $0xFFFFF086;
	s6 =	sadd.s32 @!p0 s3, s7;
	s7 =	simm.s32 @!p0 $0x108  }
0x21: {  	s3 =	sadd.s32 s3, s9;
	s6 =	sadd.s32 @!p0 $0x88, s6;
	s7 =	simm.s32 @p2 $0x1082  }
0x22: {  	[simem:s7], [sflag:s8] =	dma.local @!p0 [hbm:s6], $0xF7A  }
0x23: {  	s9 =	sor.u32 $0xD0000000, s2;
	s6 =	simm.s32 $0x108;
	_ =	swait.ge @!p0 [sflag:s8], $0x0  }
0x24: {  	s3 =	sadd.s32 $0x88, s3;
	s6 =	simm.s32 @!p1 $0x1082;
	[sflag:s4] =	ssyncset.s32 $0xFFFFF086  }
0x25: {  	[simem:s6], [sflag:s4] =	dma.local [hbm:s3], $0xF7A  }
0x26: {  	[smem:$0x3F98] =	sst s1;
	(tag) =	ssettag s2;
	_ =	strace s9  }
0x27: {  	s1 =	sld [smem:$0x3FA8]  }
0x28: {  	s2 =	sld [smem:$0x3FA9]  }
0x29: {  	s4 =	sld [smem:$0x3FAB]  }
0x2a: {  	p0 =	seq.s32 s5, $0x0;
	s5 =	sld [smem:$0x3FAC]  }
0x2b: {  	s6 =	sld [smem:$0x3FAD]  }
0x2c: {  	s7 =	sld [smem:$0x3FAE]  }
0x2d: {  	s3 =	simm.s32 $0x108;
	s8 =	sld [smem:$0x3FAF]  }
0x2e: {  	s3 =	simm.s32 @!p0 $0x1082;
	s9 =	sld [smem:$0x3FB0]  }
0x2f: {  	lr =	sadd.s32 s0, s3;
	s0 =	sld [smem:$0x3FA7]  }
0x30: {  	s3 =	sld [smem:$0x3FAA]  }
0x31: {  	[smem:$0x3FB3] =	sst s10  }
0x32: {  	s10 =	sld [smem:$0x3FB1];
	_ =	sdelay $0x3  }
0x33: {  	p0 =	seq.s32 s10, $0x1;
	s10 =	sld [smem:$0x3FB3];
	_ =	sdelay $0x3  }
0x34: {  	[smem:$0x3FB3] =	sst s10  }
0x35: {  	s10 =	sld [smem:$0x3FB2];
	_ =	sdelay $0x3  }
0x36: {  	p1 =	seq.s32 s10, $0x1;
	s10 =	sld [smem:$0x3FB3];
	_ =	sdelay $0x3  }
0x37: {  	[smem:$0x3FB3] =	sst s10  }
0x38: {  	s10 =	sld [smem:$0x3FB4]  }
0x39: {  	_ = 	snop;
	(pc) =	sbr.ind lr, $3  }
0x3a: {  	_ = 	snop  }
0x3b: {  	_ = 	snop  }
0x3c: {  	p2 =	seq.s32 s10, $0x1;
	s10 =	sld [smem:$0x3FB3]  }
0x3d: {  	_ =	shalt  }
0x3e: {  	_ =	shalt  }
0x3f: {  	_ =	shalt  }
0x40: {  	_ =	shalt  }
0x41: {  	_ =	shalt  }
0x42: {  	_ =	shalt  }
0x43: {  	_ =	shalt  }
0x44: {  	_ =	shalt  }
0x45: {  	_ =	shalt  }
0x46: {  	_ =	shalt  }
0x47: {  	_ =	shalt  }
0x48: {  	_ =	shalt  }
0x49: {  	_ =	shalt  }
0x4a: {  	_ =	shalt  }
0x4b: {  	_ =	shalt  }
0x4c: {  	_ =	shalt  }
0x4d: {  	_ =	shalt  }
0x4e: {  	_ =	shalt  }
0x4f: {  	_ =	shalt  }
0x50: {  	_ =	shalt  }
0x51: {  	_ =	shalt  }
0x52: {  	_ =	shalt  }
0x53: {  	_ =	shalt  }
0x54: {  	_ =	shalt  }
0x55: {  	_ =	shalt  }
0x56: {  	_ =	shalt  }
0x57: {  	_ =	shalt  }
0x58: {  	_ =	shalt  }
0x59: {  	_ =	shalt  }
0x5a: {  	_ =	shalt  }
0x5b: {  	_ =	shalt  }
0x5c: {  	_ =	shalt  }
0x5d: {  	_ =	shalt  }
0x5e: {  	_ =	shalt  }
0x5f: {  	_ =	shalt  }
0x60: {  	_ =	shalt  }
0x61: {  	_ =	shalt  }
0x62: {  	_ =	shalt  }
0x63: {  	_ =	shalt  }
0x64: {  	_ =	shalt  }
0x65: {  	_ =	shalt  }
0x66: {  	_ =	shalt  }
0x67: {  	_ =	shalt  }
0x68: {  	_ =	shalt  }
0x69: {  	_ =	shalt  }
0x6a: {  	_ =	shalt  }
0x6b: {  	_ =	shalt  }
0x6c: {  	_ =	shalt  }
0x6d: {  	_ =	shalt  }
0x6e: {  	_ =	shalt  }
0x6f: {  	_ =	shalt  }
0x70: {  	_ =	shalt  }
0x71: {  	_ =	shalt  }
0x72: {  	_ =	shalt  }
0x73: {  	_ =	shalt  }
0x74: {  	_ =	shalt  }
0x75: {  	_ =	shalt  }
0x76: {  	_ =	shalt  }
0x77: {  	_ =	shalt  }
0x78: {  	_ =	shalt  }
0x79: {  	_ =	shalt  }
0x7a: {  	_ =	shalt  }
0x7b: {  	_ =	shalt  }
0x7c: {  	_ =	shalt  }
0x7d: {  	_ =	shalt  }
0x7e: {  	_ =	shalt  }
0x7f: {  	_ =	shalt  }
0x80: {  	_ =	shalt  }
0x81: {  	_ =	shalt  }
0x82: {  	_ =	shalt  }
0x83: {  	_ =	shalt  }
0x84: {  	_ =	shalt  }
0x85: {  	_ =	shalt  }
0x86: {  	_ =	shalt  }
0x87: {  	_ =	shalt  }
.Lfunc_end0:
.L_simem_size_0:
called_computation_lowered:
.L_overlay_start_0:
0x88: {  	s2 =	sld [smem:$0x3FD9]  }
0x89: {  	s3 =	sld [smem:$0x3FFE];
	_ =	sdelay $0x1  }
0x8a: {  	s1 =	srdreg.scid  }
0x8b: {  	s0 =	sand.u32 $0x1, s1  }
0x8c: {  	s17 =	sshll.u32 s0, $0xA;
	s2 =	sadd.s32 s3, s2  }
0x8d: {  	s2 =	sadd.s32 s2, s17  }
0x8e: {  	[smem:$0x3FBF] =	sst s2  }
0x8f: {  	_ = 	snop  }
0x90: {  	s2 =	sld [smem:$0x3FD0];
	(tm) =	ssettm $0x1  }
0x91: {  	s18 =	sld [smem:$0x3FFB];
	_ =	sdelay $0x3  }
0x92: {  	_ =	strace s18  }
0x93: {  	s3 =	sld [smem:$0x3FFC];
	_ =	sdelay $0x3  }
0x94: {  	_ =	strace s3  }
0x95: {  	s3 =	sld [smem:$0x3FFD];
	_ =	sdelay $0x3  }
0x96: {  	_ =	strace s3  }
0x97: {  	_ =	strace $0x8FFFFFFF  }
0x98: {  	s19 =	sld [smem:$0x3FDB];
	_ =	sdelay $0x1  }
0x99: {  	s4 =	simm.s32 $_scs_section_size  }
0x9a: {  	s5 =	simm.s32 $_size__tile_overlayer_lowered;
	s6 =	simm.s32 $_tile_overlayer_lowered  }
0x9b: {  	s22 =	simm.s32 $0x1BFF;
	s21 =	sshll.u32 s6, $0x1;
	s3 =	sadd.s32 s4, s19  }
0x9c: {  	s7 =	simm.s32 $0x0;
	s20 =	sshll.u32 s5, $0x1;
	s5 =	sadd.s32 s21, s3  }
0x9d: {  	[timem:s7], [sflag:s22] =	dma.local [hbm:s5], s20  }
0x9e: {  	_ =	swait.ge [sflag:s22], s20  }
0x9f: {  	s4 =	ssub.s32 $0x0, s20;
	[sflag:s22] =	ssyncset.done $0x0  }
0xa0: {  	[sflag:s22] =	ssyncadd.s32 s4;
	_ =	sdelay $0x1  }
0xa1: {  	s23 =	simm.s32 $0x1B8B  }
0xa2: {  	_ =	swait.ge [sflag:s23], $0x1  }
0xa3: {  	[sflag:s23] =	ssyncset.done $0x0  }
0xa4: {  	s25 =	simm.s32 $0x1B8E;
	s24 =	sld [smem:$0x3FFE];
	[sflag:s23] =	ssyncadd.s32 $0xFFFFFFFF  }
0xa5: {  	s26 =	simm.s32 $execute0_lowered;
	[smem:$0x3FD2] =	sst s25  }
0xa6: {  	s5 =	sshll.u32 s26, $0x1;
	_ =	strace $0x80000046;
	[dreg:$0x1] =	wrdreg $0xFFFFFFFF  }
0xa7: {  	s28 =	simm.s32 $_size_execute0_lowered;
	s3 =	sadd.s32 s3, s5;
	[dreg:$0x0] =	wrdreg $0x0  }
0xa8: {  	s5 =	sshll.u32 s28, $0x1;
	[dreg:$0x2] =	wrdreg s3  }
0xa9: {  	[dreg:$0x3] =	wrdreg s5  }
0xaa: {  	[dreg:$0x4] =	wrdreg $0xC0  }
0xab: {  	_ =	task [dreg:s7], $0x5FFFF  }
0xac: {  	[dreg:$0x1] =	wrdreg $0xFFFFFFFF  }
0xad: {  	[dreg:$0x0] =	wrdreg $0x60  }
0xae: {  	[dreg:$0x2] =	wrdreg s24  }
0xaf: {  	[dreg:$0x3] =	wrdreg s2  }
0xb0: {  	[dreg:$0x4] =	wrdreg $0x94000  }
0xb1: {  	[dreg:$0x5] =	wrdreg $0x9  }
0xb2: {  	_ =	task.clear_ibuf [dreg:s7], $0x6FFFF;
	_ =	strace $0x90000046  }
0xb3: {  	s29 =	simm.s32 $0x9;
	_ =	strace $0x80000048  }
0xb4: {  	_ =	swait.ge [sflag:s29], $0x1  }
0xb5: {  	[sflag:s29] =	ssyncadd.s32 $0xFFFFFFFF  }
0xb6: {  	_ =	strace $0x90000048  }
0xb7: {  	_ =	sfence  }
0xb8: {  	s30 =	sld [smem:$0x0];
	_ =	sdelay $0x2  }
0xb9: {  	s31 =	sshll.u32 s1, $0xD;
	s1 =	sshrl.u32 s1, $0x2  }
0xba: {  	s3 =	sand.u32 $0x4000, s31;
	s1 =	sadd.s32 s1, s30  }
0xbb: {  	s0 =	sor.u32 s3, s0;
	s1 =	sshll.u32 s1, $0x11  }
0xbc: {  	s0 =	sor.u32 s1, s0  }
0xbd: {  	s0 =	sadd.s32 $0x8F2B, s0  }
0xbe: {  	[sflag:s0] =	ssyncadd.remote.s32 $0x1  }
0xbf: {  	_ =	sfence.sel $0xFFFF  }
0xc0: {  	[dreg:$0x0] =	wrdreg $0xFFFFFFFF;
	(pc) =	sbr.abs _section_cstart, $3  }
0xc1: {  	[dreg:$0x1] =	wrdreg $0xFFFFFFFF  }
0xc2: {  	_ =	task.clear_ibuf [dreg:s7], $0x2FFFF;
	_ =	strace $0x9FFFFFFF  }
0xc3: {  	(tm) =	ssettm $0x7FFFFFFF  }
tec
execute0_lowered:
.L_overlay_start_1:
0x0: {  	(tag) =	ssettag $0x1  }
0x1: {  	s0 =	rddreg [dreg:$0x0]  }
0x2: {  	s1 =	rddreg [dreg:$0x1]  }
0x3: {  	s2 =	rddreg [dreg:$0x2];
	s12 =	stileid.u32  }
0x4: {  	s3 =	srdreg.scid;
	s28 =	simm.s32 $0x80;
	s7 =	smul.u32 $0x4650, s12  }
0x5: {  	s30 =	simm.s32 $0x100;
	s31 =	simm.s32 $0x300;
	s20 =	smul.u32 $0x5000, s12  }
0x6: {  	s4 =	sand.u32 $0x1, s3;
	s5 =	sshll.u32 s12, $0x1;
	s25 =	smul.u32 $0x58E00, s12  }
0x7: {  	s3 =	simm.s32 $0x0;
	s9 =	sadd.s32 $0x2CE00, s0;
	s29 =	smul.u32 $0x8CA00, s12  }
0x8: {  	p0 =	sgt.u32 s12, $0x9;
	s6 =	smul.u32 $0x2BF20, s4;
	s5 =	sor.u32 s4, s5  }
0x9: {  	s12 =	simm.s32 $0x0;
	[smem:$0x7FF] =	sst s3;
	s5 =	smul.u32 $0x2800, s5  }
0xa: {  	s8 =	ssub.s32 $0x2, s4;
	s4 =	smul.u32 $0x2800, s4;
	_ =	strace $0x80000047  }
0xb: {  	s10 =	sshrl.u32 s8, $0x1;
	s25 =	sshrl.u32 s25, $0x2;
	s5 =	sshrl.u32 s5, $0x3  }
0xc: {  	s6 =	sadd.s32 s7, s6;
	s7 =	ssub.s32 s8, s10;
	s17 =	sadd.s32 s1, s5  }
0xd: {  	s18 =	sadd.s32 s9, s5;
	s19 =	sor.u32 $0x10, s5;
	[dreg:$0x4] =	wrdreg s17  }
0xe: {  	s4 =	sadd.s32 s4, s20;
	[dreg:$0x5] =	wrdreg s18;
	s11 =	sadd.s32 s1, s19  }
0xf: {  	s21 =	sor.u32 $0x20, s5;
	s8 =	sadd.s32 s9, s19;
	[dreg:$0x6] =	wrdreg s11  }
0x10: {  	s10 =	simm.s32 $0xA;
	s22 =	sadd.s32 s1, s21;
	[dreg:$0x7] =	wrdreg s8  }
0x11: {  	s5 =	sor.u32 $0x30, s5;
	s23 =	sadd.s32 s9, s21;
	[dreg:$0x8] =	wrdreg s22  }
0x12: {  	s26 =	sor.u32 $0x300, s4;
	s24 =	sadd.s32 s1, s5;
	[dreg:$0x9] =	wrdreg s23  }
0x13: {  	s20 =	sor.u32 $0x280, s4;
	s5 =	sadd.s32 s9, s5;
	[dreg:$0xa] =	wrdreg s24  }
0x14: {  	s21 =	sshrl.u32 s20, $0x3;
	s20 =	sadd.s32 $0xE00, s0;
	[dreg:$0xb] =	wrdreg s5  }
0x15: {  	s8 =	sshrl.u32 s26, $0x3;
	s14 =	sadd.s32 s21, s9;
	s22 =	sor.u32 $0x200, s4  }
0x16: {  	s4 =	sor.u32 $0x180, s4;
	s15 =	sadd.s32 s21, s1;
	s24 =	sadd.s32 s6, s0  }
0x17: {  	s0 =	sadd.s32 $0x36E00, s0;
	s26 =	sshrl.u32 s29, $0x2;
	s29 =	smax.u32 s7, $0x1  }
0x18: {  	s5 =	simm.s32 $0x9;
	s6 =	simm.s32 $0x400;
	s11 =	simm.s32 $0x4C00  }
0x19: {  	s21 =	simm.s32 $0x2;
	s7 =	simm.s32 $0x8;
	s13 =	sadd.s32 s8, s9  }
0x1a: {  	s23 =	sshrl.u32 s22, $0x3;
	s4 =	sshrl.u32 s4, $0x3;
	[dreg:$0xd] =	wrdreg s0  }
0x1b: {  	s0 =	sadd.s32 s25, s2;
	[dreg:$0xf] =	wrdreg s29;
	s22 =	simm.s32 $0x3  }
0x1c: {  	s25 =	simm.s32 $0x4;
	[dreg:$0xc] =	wrdreg s13;
	s13 =	sadd.s32 s8, s1  }
0x1d: {  	s16 =	sadd.s32 s23, s9;
	s17 =	sadd.s32 s23, s1;
	s18 =	sadd.s32 s4, s9  }
.Ltmp0:
0x1e: {  	s19 =	sadd.s32 s4, s1;
	s1 =	sadd.s32 $0x39C00, s24;
	(pc) =	sbr.rel .LBB2_1-.Ltmp0, $4  }
0x1f: {  	s0 =	sshrl.u32 s0, $0x3;
	s4 =	simm.s32 $0x5;
	s8 =	simm.s32 $0x1  }
0x20: {  	s9 =	simm.s32 $0x6;
	[dreg:$0xe] =	wrdreg s1;
	s1 =	sadd.s32 s26, s2  }
0x21: {  	s23 =	simm.s32 $0x7;
	[dreg:$0x10] =	wrdreg s0;
	s0 =	sshrl.u32 @!p0 s1, $0x3  }
0x22: {  	s24 =	simm.s32 $0xB;
	s26 =	simm.s32 $0xC;
	[dreg:$0x11] =	wrdreg s0  }
.LBB2_4:
0x23: {  	_ =	swait.ge [sflag:s25], $0x4800  }
0x24: {  	[sflag:s25] =	ssyncset.done $0x0  }
0x25: {  	[sflag:s25] =	ssyncadd.s32 $0xFFFFB800  }
0x26: {  	[bflag:$0x0] =	sbarrier.arrive $0xFFFF  }
0x27: {  	s0 =	rddreg [dreg:$0xe]  }
0x28: {  	s1 =	rddreg [dreg:$0x11]  }
0x29: {  	s12 =	rddreg [dreg:$0x13]  }
0x2a: {  	[hbm:s0], [sflag:s12] =	dma.local @!p0 [spmem:s1], $0x4650  }
0x2b: {  	s0 =	simm.s32 @!p0 $0xD  }
0x2c: {  	_ =	swait.ge @!p0 [sflag:s0], $0x4650  }
0x2d: {  	s1 =	rddreg [dreg:$0x12]  }
0x2e: {  	s29 =	rddreg [dreg:$0xf];
	s12 =	sadd.s32 $0x1, s1  }
0x2f: {  	p1 =	sne.s32 s12, s29  }
.Ltmp1:
0x30: {  	_ = 	snop;
	(pc) =	sbr.rel @!p1 .LBB2_5-.Ltmp1, $3  }
0x31: {  	_ =	sdelay $0x1  }
0x32: {  	[sflag:s0] =	ssyncset.done @!p0 $0x0  }
0x33: {  	[sflag:s0] =	ssyncadd.s32 @!p0 $0xFFFFB9B0  }
.LBB2_1:
0x34: {  	[dreg:$0x12] =	wrdreg s12  }
0x35: {  	s0 =	rddreg [dreg:$0x4]  }
0x36: {  	[tilespmem:s3], [sflag:$0x5] =	stream.linear.gather [hbm4b:s0+s3], $0x80, $0x38;
	[tilespmem:$0x1F780] =	vst v63  }
0x37: {  	s12 =	rddreg [dreg:$0x5];
	s1 =	simm.s32 $0x200  }
0x38: {  	[tilespmem:s1], [sflag:$0x9] =	stream.linear.gather [hbm4b:s12+s3], $0x80, $0x38;
	[tilespmem:$0x1F780] =	vst v63  }
0x39: {  	s12 =	rddreg [dreg:$0x6]  }
0x3a: {  	[tilespmem:s28], [sflag:$0x6] =	stream.linear.gather [hbm4b:s12+s3], $0x80, $0x38;
	[tilespmem:$0x1F780] =	vst v63  }
0x3b: {  	s1 =	rddreg [dreg:$0x7];
	s12 =	simm.s32 $0x280  }
0x3c: {  	[tilespmem:s12], [sflag:$0xA] =	stream.linear.gather [hbm4b:s1+s3], $0x80, $0x38;
	[tilespmem:$0x1F780] =	vst v63  }
0x3d: {  	s1 =	rddreg [dreg:$0x8]  }
0x3e: {  	[tilespmem:s30], [sflag:$0x7] =	stream.linear.gather [hbm4b:s1+s3], $0x80, $0x38;
	[tilespmem:$0x1F780] =	vst v63  }
0x3f: {  	s12 =	rddreg [dreg:$0x9]  }
0x40: {  	[tilespmem:s31], [sflag:$0xB] =	stream.linear.gather [hbm4b:s12+s3], $0x80, $0x38;
	[tilespmem:$0x1F780] =	vst v63  }
0x41: {  	s1 =	rddreg [dreg:$0xa];
	s12 =	simm.s32 $0x180  }
0x42: {  	[tilespmem:s12], [sflag:$0x8] =	stream.linear.gather [hbm4b:s1+s3], $0x80, $0x38;
	[tilespmem:$0x1F780] =	vst v63  }
0x43: {  	s1 =	rddreg [dreg:$0xb];
	s12 =	simm.s32 $0x380  }
0x44: {  	[tilespmem:s12], [sflag:$0xC] =	stream.linear.gather [hbm4b:s1+s3], $0x80, $0x38;
	[tilespmem:$0x1F780] =	vst v63  }
0x45: {  	s1 =	stileid.u32;
	_ =	swait.ge [sflag:s4], $0x80  }
0x46: {  	s29 =	sshll.u32 s1, $0x6;
	[sflag:s4] =	ssyncset.done $0x0  }
0x47: {  	s12 =	sor.u32 $0x1C0D, s29;
	[sflag:s4] =	ssyncadd.s32 $0xFFFFFF80  }
0x48: {  	_ =	swait.ge [sflag:s5], $0x80;
	[dreg:$0x13] =	wrdreg s12  }
0x49: {  	[sflag:s5] =	ssyncset.done $0x0;
	s0 =	rddreg [dreg:$0xd]  }
0x4a: {  	s1 =	rddreg [dreg:$0x10];
	[sflag:s5] =	ssyncadd.s32 $0xFFFFFF80  }
0x4b: {  	[tilespmem:s6], [sflag:$0x1] =	stream.indirect.gather [hbm4b:s20+s28], $0x90, s3, s28, $0xb8;
	[tilespmem:$0x1F780] =	vst v63  }
0x4c: {  	[spmem:s1], [sflag:s12] =	dma.local [hbm:s0], $0x2C70  }
0x4d: {  	s12 =	simm.s32 $0xD  }
0x4e: {  	_ =	swait.ge [sflag:s12], $0x2C70  }
0x4f: {  	[sflag:s12] =	ssyncset.done $0x0  }
0x50: {  	[sflag:s12] =	ssyncadd.s32 $0xFFFFD390  }
0x51: {  	s29 =	simm.s32 $0x0;
	[bflag:$0x0] =	sbarrier.arrive $0xFFFF  }
.LBB2_2:
0x52: {  	_ =	swait.ge [sflag:s8], $0x4800  }
0x53: {  	[sflag:s8] =	ssyncset.done $0x0  }
0x54: {  	s0 =	simm.s32 $0x200;
	p1 =	seq.s32 s29, $0x0;
	[sflag:s8] =	ssyncadd.s32 $0xFFFFB800  }
0x55: {  	[spmem:s2] =	stream.indirect.scatter.add.f32 [tilespmem:s6], [sflag:$0x3], $0x90, s0, s28, $0xb8;
	[tilespmem:$0x1F780] =	vst v63  }
0x56: {  	s0 =	simm.s32 @!p1 $0x4  }
0x57: {  	_ =	swait.ge @!p1 [sflag:s0], $0x4800  }
0x58: {  	s1 =	simm.s32 @!p1 $0x0;
	[sflag:s0] =	ssyncset.done @!p1 $0x0  }
0x59: {  	s12 =	simm.s32 @!p1 $0x180;
	[sflag:s0] =	ssyncadd.s32 @!p1 $0xFFFFB800;
	s0 =	sadd.s32 @!p1 s29, s19  }
0x5a: {  	[tilespmem:s12], [sflag:$0x8] =	stream.linear.gather @!p1 [hbm4b:s0+s1], $0x80, $0x38;
	[tilespmem:$0x1F780] =	vst v63  }
0x5b: {  	s0 =	sadd.s32 @!p1 s29, s18;
	s12 =	simm.s32 @!p1 $0x380  }
0x5c: {  	[tilespmem:s12], [sflag:$0xC] =	stream.linear.gather @!p1 [hbm4b:s0+s1], $0x80, $0x38;
	[tilespmem:$0x1F780] =	vst v63  }
0x5d: {  	_ =	swait.ge [sflag:s9], $0x80  }
0x5e: {  	[sflag:s9] =	ssyncset.done $0x0  }
0x5f: {  	[sflag:s9] =	ssyncadd.s32 $0xFFFFFF80  }
0x60: {  	_ =	swait.ge [sflag:s10], $0x80  }
0x61: {  	[sflag:s10] =	ssyncset.done $0x0  }
0x62: {  	[sflag:s10] =	ssyncadd.s32 $0xFFFFFF80  }
0x63: {  	[tilespmem:s11], [sflag:$0x2] =	stream.indirect.gather [hbm4b:s20+s28], $0x90, s28, s28, $0xb8;
	[tilespmem:$0x1F780] =	vst v63  }
0x64: {  	_ =	swait.ge [sflag:s21], $0x4800  }
0x65: {  	[sflag:s21] =	ssyncset.done $0x0  }
0x66: {  	s12 =	simm.s32 $0x280;
	[sflag:s21] =	ssyncadd.s32 $0xFFFFB800  }
0x67: {  	[spmem:s2] =	stream.indirect.scatter.add.f32 [tilespmem:s11], [sflag:$0x4], $0x90, s12, s28, $0xb8;
	[tilespmem:$0x1F780] =	vst v63  }
0x68: {  	_ =	swait.ge [sflag:s22], $0x4800  }
0x69: {  	p1 =	seq.s32 s29, $0x4C0;
	[sflag:s22] =	ssyncset.done $0x0  }
0x6a: {  	s0 =	sadd.s32 @!p1 s29, s17;
	s1 =	simm.s32 @!p1 $0x0;
	[sflag:s22] =	ssyncadd.s32 $0xFFFFB800  }
0x6b: {  	[tilespmem:s1], [sflag:$0x5] =	stream.linear.gather @!p1 [hbm4b:s0+s1], $0x80, $0x38;
	[tilespmem:$0x1F780] =	vst v63  }
0x6c: {  	s12 =	simm.s32 @!p1 $0x200;
	s0 =	sadd.s32 @!p1 s29, s16  }
0x6d: {  	[tilespmem:s12], [sflag:$0x9] =	stream.linear.gather @!p1 [hbm4b:s0+s1], $0x80, $0x38;
	[tilespmem:$0x1F780] =	vst v63  }
0x6e: {  	_ =	swait.ge [sflag:s23], $0x80  }
0x6f: {  	[sflag:s23] =	ssyncset.done $0x0  }
0x70: {  	[sflag:s23] =	ssyncadd.s32 $0xFFFFFF80  }
0x71: {  	_ =	swait.ge [sflag:s24], $0x80  }
0x72: {  	[sflag:s24] =	ssyncset.done $0x0  }
0x73: {  	[sflag:s24] =	ssyncadd.s32 $0xFFFFFF80  }
0x74: {  	[tilespmem:s6], [sflag:$0x1] =	stream.indirect.gather [hbm4b:s20+s28], $0x90, s30, s28, $0xb8;
	[tilespmem:$0x1F780] =	vst v63  }
0x75: {  	_ =	swait.ge [sflag:s8], $0x4800  }
0x76: {  	[sflag:s8] =	ssyncset.done $0x0  }
0x77: {  	[sflag:s8] =	ssyncadd.s32 $0xFFFFB800  }
0x78: {  	[spmem:s2] =	stream.indirect.scatter.add.f32 [tilespmem:s6], [sflag:$0x3], $0x90, s31, s28, $0xb8;
	[tilespmem:$0x1F780] =	vst v63  }
0x79: {  	_ =	swait.ge [sflag:s25], $0x4800  }
0x7a: {  	[sflag:s25] =	ssyncset.done $0x0  }
0x7b: {  	s0 =	sadd.s32 @!p1 s29, s15;
	s12 =	simm.s32 @!p1 $0x80;
	[sflag:s25] =	ssyncadd.s32 $0xFFFFB800  }
0x7c: {  	[tilespmem:s12], [sflag:$0x6] =	stream.linear.gather @!p1 [hbm4b:s0+s1], $0x80, $0x38;
	[tilespmem:$0x1F780] =	vst v63  }
0x7d: {  	s0 =	sadd.s32 @!p1 s29, s14;
	s12 =	simm.s32 @!p1 $0x280  }
0x7e: {  	[tilespmem:s12], [sflag:$0xA] =	stream.linear.gather @!p1 [hbm4b:s0+s1], $0x80, $0x38;
	[tilespmem:$0x1F780] =	vst v63  }
0x7f: {  	_ =	swait.ge [sflag:s7], $0x80  }
0x80: {  	[sflag:s7] =	ssyncset.done $0x0  }
0x81: {  	[sflag:s7] =	ssyncadd.s32 $0xFFFFFF80  }
0x82: {  	_ =	swait.ge [sflag:s26], $0x80  }
0x83: {  	[sflag:s26] =	ssyncset.done $0x0  }
0x84: {  	s1 =	simm.s32 $0x180;
	[sflag:s26] =	ssyncadd.s32 $0xFFFFFF80  }
0x85: {  	[tilespmem:s11], [sflag:$0x2] =	stream.indirect.gather [hbm4b:s20+s28], $0x90, s1, s28, $0xb8;
	[tilespmem:$0x1F780] =	vst v63  }
0x86: {  	_ =	swait.ge [sflag:s21], $0x4800  }
0x87: {  	[sflag:s21] =	ssyncset.done $0x0  }
.Ltmp2:
0x88: {  	s12 =	simm.s32 $0x380;
	[sflag:s21] =	ssyncadd.s32 $0xFFFFB800;
	(pc) =	sbr.rel @p1 .LBB2_4-.Ltmp2, $4  }
0x89: {  	[spmem:s2] =	stream.indirect.scatter.add.f32 [tilespmem:s11], [sflag:$0x4], $0x90, s12, s28, $0xb8;
	[tilespmem:$0x1F780] =	vst v63  }
0x8a: {  	_ =	swait.ge [sflag:s22], $0x4800  }
0x8b: {  	[sflag:s22] =	ssyncset.done $0x0  }
0x8c: {  	[sflag:s22] =	ssyncadd.s32 $0xFFFFB800  }
0x8d: {  	s0 =	sadd.s32 s29, s13;
	s12 =	rddreg [dreg:$0xc]  }
0x8e: {  	[tilespmem:s30], [sflag:$0x7] =	stream.linear.gather [hbm4b:s0+s3], $0x80, $0x38;
	[tilespmem:$0x1F780] =	vst v63  }
0x8f: {  	s0 =	sadd.s32 s29, s12  }
0x90: {  	[tilespmem:s31], [sflag:$0xB] =	stream.linear.gather [hbm4b:s0+s3], $0x80, $0x38;
	[tilespmem:$0x1F780] =	vst v63  }
0x91: {  	_ =	swait.ge [sflag:s4], $0x80  }
0x92: {  	[sflag:s4] =	ssyncset.done $0x0  }
.Ltmp3:
0x93: {  	[sflag:s4] =	ssyncadd.s32 $0xFFFFFF80;
	(pc) =	sbr.rel .LBB2_2-.Ltmp3, $4  }
0x94: {  	_ =	swait.ge [sflag:s5], $0x80  }
0x95: {  	[sflag:s5] =	ssyncset.done $0x0  }
0x96: {  	s29 =	sadd.s32 $0x40, s29;
	[sflag:s5] =	ssyncadd.s32 $0xFFFFFF80  }
0x97: {  	[tilespmem:s6], [sflag:$0x1] =	stream.indirect.gather [hbm4b:s20+s28], $0x90, s3, s28, $0xb8;
	[tilespmem:$0x1F780] =	vst v63  }
.LBB2_5:
0x98: {  	_ =	sfence.sel $0x180000  }
0x99: {  	[bflag:$0x0] =	sbarrier.arrive $0xFFFF  }
0x9a: {  	_ =	strace $0x90000047  }
0x9b: {  	s0 =	stileid.u32;
	[bflag:$0x2] =	sbarrier.arrive $0xFFFF  }
0x9c: {  	p0 =	sne.s32 s0, $0x0;
	s0 =	rddreg [dreg:$0x3]  }
0x9d: {  	s0 =	sadd.s32 @!p0 $0x100000, s0  }
0x9e: {  	[sflag:s0] =	ssyncadd.tile.s32 @!p0 $0x1;
	_ =	shalt  }
.Lfunc_end2:
_tile_overlayer_lowered:
.L_overlay_start_2:
0x9f: {  	(tag) =	ssettag $0x2  }
0xa0: {  	s0 =	rddreg [dreg:$0x0];
	s2 =	stileid.u32  }
0xa1: {  	s1 =	rddreg [dreg:$0x1];
	p0 =	sne.s32 s2, $0x0  }
0xa2: {  	s3 =	rddreg [dreg:$0x2];
	[bflag:$0x3] =	sbarrier.arrive $0xFFFF;
	s2 =	simm.s32 @!p0 $0x1C0D  }
0xa3: {  	[timem:s3], [sflag:s2] =	dma.local @!p0 [hbm:s0], s1  }
0xa4: {  	s0 =	simm.s32 @!p0 $0xD  }
0xa5: {  	_ =	swait.ge @!p0 [sflag:s0], s1  }
0xa6: {  	s1 =	ssub.s32 @!p0 $0x0, s1;
	[sflag:s0] =	ssyncset.done @!p0 $0x0  }
0xa7: {  	[sflag:s0] =	ssyncadd.s32 @!p0 s1  }
0xa8: {  	[bflag:$0x3] =	sbarrier.arrive $0xFFFF  }
0xa9: {  	_ =	shalt  }

</sc_bundles>
